<compile_context>
chip_gen: v7x
topology: tpu7x:2x2x1
jax: 0.10.2.dev20260603
libtpu: 0.0.44.dev20260713+nightly
codegen_flags: <defaults>
</compile_context>

<pallas_src>
import functools

import jax
import jax.numpy as jnp
from jax import lax
from jax.experimental import pallas as pl
from jax.experimental.pallas import tpu as pltpu
from jax.experimental.pallas import tpu_sc as plsc

N_NODES_C = 10000
N_EDGES_C = 320000
D_C = 128
NUM_GRAPHS_C = 64

CH = 128
N_CHUNKS = N_EDGES_C // CH
NC = 2
NS = 16
NW = NC * NS
ROW_BLK = 80
N_ROW_BLOCKS = N_NODES_C // ROW_BLK

KMAX = N_CHUNKS // NW + 1


def _sc_body(idx_hbm, edge_hbm, node_hbm, out_hbm,
             ix0, ix1, ix2, b0, b1, b2, agg,
             si0, si1, si2, sd0, sd1, sd2, sc0, sc1, sc2):
    cid = lax.axis_index("c")
    sid = lax.axis_index("s")
    wid = sid * NC + cid

    ix = (ix0, ix1, ix2)
    bf = (b0, b1, b2)
    si = (si0, si1, si2)
    sd = (sd0, sd1, sd2)
    ssc = (sc0, sc1, sc2)
    NSLOT = 3
    NT = (KMAX + NSLOT - 1) // NSLOT

    nk = jnp.where(wid < (N_CHUNKS % NW), KMAX, KMAX - 1)
    base = jnp.where(wid < (N_CHUNKS % NW), wid * KMAX,
                     (N_CHUNKS % NW) + wid * (KMAX - 1))

    def start_idx(k, s):
        off = (base + k) * CH
        pltpu.async_copy(idx_hbm.at[0, pl.ds(off, CH)], ix[s].at[0], si[s])
        pltpu.async_copy(idx_hbm.at[1, pl.ds(off, CH)], ix[s].at[1], si[s])

    def wait_idx(k, s):
        off = (base + k) * CH
        pltpu.make_async_copy(idx_hbm.at[0, pl.ds(off, CH)], ix[s].at[0],
                              si[s]).wait()
        pltpu.make_async_copy(idx_hbm.at[1, pl.ds(off, CH)], ix[s].at[1],
                              si[s]).wait()

    def start_idx_dst(k, s):
        pltpu.async_copy(idx_hbm.at[1, pl.ds((base + k) * CH, CH)],
                         ix[s].at[1], si[s])

    def wait_idx_dst(k, s):
        pltpu.make_async_copy(idx_hbm.at[1, pl.ds((base + k) * CH, CH)],
                              ix[s].at[1], si[s]).wait()

    def start_edge(k, s):
        pltpu.async_copy(edge_hbm.at[base + k], bf[s], sd[s])

    def wait_edge(k, s):
        pltpu.make_async_copy(edge_hbm.at[base + k], bf[s], sd[s]).wait()

    def start_gather(k, s):
        pltpu.async_copy(node_hbm.at[ix[s].at[0]], bf[s], sd[s])

    def wait_gather(k, s):
        pltpu.make_async_copy(node_hbm.at[ix[s].at[0]], bf[s], sd[s]).wait()

    def scatter(s):
        pltpu.sync_copy(bf[s], agg.at[ix[s].at[1]], add=True)

    def run_pass_a():
        for s in range(NSLOT):
            start_idx_dst(s, s)
        start_edge(0, 0)
        start_edge(1, 1)

        zv = jnp.zeros((16,), jnp.float32)

        @pl.loop(0, ROW_BLK)
        def _zero_rows(r):
            for j in range(D_C // 16):
                b2[r, pl.ds(j * 16, 16)] = zv

        @pl.loop(0, (N_ROW_BLOCKS + NS - 1) // NS)
        def _zero_agg(kz):
            blk = kz * NS + sid

            @pl.when(blk < N_ROW_BLOCKS)
            def _():
                pltpu.sync_copy(
                    b2.at[pl.ds(0, ROW_BLK)],
                    agg.at[pl.ds(blk * ROW_BLK, ROW_BLK)],
                )

        plsc.subcore_barrier()
        start_edge(2, 2)

        @pl.loop(0, NT)
        def _pass_a(t):
            for s in range(NSLOT):
                k = NSLOT * t + s

                @pl.when(k < nk)
                def _():
                    wait_edge(k, s)
                    wait_idx_dst(k, s)
                    scatter(s)

                    @pl.when(k + NSLOT < nk)
                    def _():
                        start_idx_dst(k + NSLOT, s)
                        start_edge(k + NSLOT, s)

    def run_pass_b():
        for s in range(NSLOT):
            start_idx(s, s)
        for s in range(NSLOT - 1):
            wait_idx(s, s)
            start_gather(s, s)

        @pl.loop(0, NT)
        def _pass_b(t):
            for s in range(NSLOT):
                k = NSLOT * t + s
                s2 = (s + 2) % NSLOT

                @pl.when(k < nk)
                def _():
                    wait_gather(k, s)
                    scatter(s)

                    @pl.when(k + NSLOT < nk)
                    def _():
                        start_idx(k + NSLOT, s)

                    @pl.when(k + 2 < nk)
                    def _():
                        wait_idx(k + 2, s2)
                        start_gather(k + 2, s2)

    run_pass_a()
    run_pass_b()

    plsc.subcore_barrier()

    @pl.loop(0, (N_ROW_BLOCKS + NS - 1) // NS)
    def _copy_out(k):
        blk = k * NS + sid

        @pl.when(blk < N_ROW_BLOCKS)
        def _():
            pltpu.sync_copy(
                agg.at[pl.ds(blk * ROW_BLK, ROW_BLK)],
                out_hbm.at[cid, pl.ds(blk * ROW_BLK, ROW_BLK)],
            )


@functools.cache
def _sc_aggregate():
    mesh = plsc.VectorSubcoreMesh(
        core_axis_name="c", subcore_axis_name="s",
        num_cores=NC, num_subcores=NS)
    return pl.kernel(
        _sc_body,
        out_type=jax.ShapeDtypeStruct((NC, N_NODES_C, D_C), jnp.float32),
        mesh=mesh,
        scratch_types=[
            pltpu.VMEM((2, CH), jnp.int32),
            pltpu.VMEM((2, CH), jnp.int32),
            pltpu.VMEM((2, CH), jnp.int32),
            pltpu.VMEM((CH, D_C), jnp.float32),
            pltpu.VMEM((CH, D_C), jnp.float32),
            pltpu.VMEM((CH, D_C), jnp.float32),
            pltpu.VMEM_SHARED((N_NODES_C, D_C), jnp.float32),
            pltpu.SemaphoreType.DMA,
            pltpu.SemaphoreType.DMA,
            pltpu.SemaphoreType.DMA,
            pltpu.SemaphoreType.DMA,
            pltpu.SemaphoreType.DMA,
            pltpu.SemaphoreType.DMA,
            pltpu.SemaphoreType.DMA,
            pltpu.SemaphoreType.DMA,
            pltpu.SemaphoreType.DMA,
        ],
    )


BLK = 2000


def _tc_body(agg_ref, node_ref, batch_ref, w1_ref, b1_ref, w2_ref, b2_ref,
             eps_ref, g_ref, bt_ref, out_ref, scale_ref):
    i = pl.program_id(0)

    @pl.when(i == 0)
    def _():
        bfull = batch_ref[...]
        giota = lax.broadcasted_iota(jnp.int32, (N_NODES_C, NUM_GRAPHS_C), 1)
        onehot = (bfull == giota).astype(jnp.float32)
        counts = jnp.sum(onehot, axis=0, keepdims=True)
        scale_ref[...] = lax.rsqrt(jnp.maximum(counts, 1.0))

    aggs = agg_ref[...]
    node = node_ref[...]
    x = aggs[0] + aggs[1] + (1.0 + eps_ref[0, 0]) * node
    h = jnp.dot(x, w1_ref[...], preferred_element_type=jnp.float32,
                precision=lax.Precision.HIGHEST) + b1_ref[...]
    h = jnp.maximum(h, 0.0)
    y = jnp.dot(h, w2_ref[...], preferred_element_type=jnp.float32,
                precision=lax.Precision.HIGHEST) + b2_ref[...]
    mu = jnp.mean(y, axis=-1, keepdims=True)
    var = jnp.mean((y - mu) ** 2, axis=-1, keepdims=True)
    y = (y - mu) * lax.rsqrt(var + 1e-5) * g_ref[...] + bt_ref[...]
    scale_g = scale_ref[...]
    bblk = batch_ref[pl.ds(i * BLK, BLK), :]
    biota = lax.broadcasted_iota(jnp.int32, (BLK, NUM_GRAPHS_C), 1)
    mask = (bblk == biota).astype(jnp.float32)
    scale = jnp.sum(mask * scale_g, axis=1, keepdims=True)
    y = jnp.maximum(y * scale, 0.0)
    out_ref[...] = y + node


_tc_mlp = pl.pallas_call(
    _tc_body,
    grid=(N_NODES_C // BLK,),
    in_specs=[
        pl.BlockSpec((NC, BLK, D_C), lambda i: (0, i, 0)),
        pl.BlockSpec((BLK, D_C), lambda i: (i, 0)),
        pl.BlockSpec((N_NODES_C, 1), lambda i: (0, 0)),
        pl.BlockSpec((D_C, 2 * D_C), lambda i: (0, 0)),
        pl.BlockSpec((1, 2 * D_C), lambda i: (0, 0)),
        pl.BlockSpec((2 * D_C, D_C), lambda i: (0, 0)),
        pl.BlockSpec((1, D_C), lambda i: (0, 0)),
        pl.BlockSpec((1, 1), lambda i: (0, 0)),
        pl.BlockSpec((1, D_C), lambda i: (0, 0)),
        pl.BlockSpec((1, D_C), lambda i: (0, 0)),
    ],
    out_specs=pl.BlockSpec((BLK, D_C), lambda i: (i, 0)),
    out_shape=jax.ShapeDtypeStruct((N_NODES_C, D_C), jnp.float32),
    scratch_shapes=[pltpu.VMEM((1, NUM_GRAPHS_C), jnp.float32)],
)


def kernel(node_hidden, edge_index, edge_hidden, batch, W1, b1, W2, b2, eps,
           ln_gamma, ln_beta):
    idx2 = edge_index.astype(jnp.int32)
    edge3 = edge_hidden.reshape(N_CHUNKS, CH, D_C)
    agg2 = _sc_aggregate()(idx2, edge3, node_hidden)
    out = _tc_mlp(
        agg2,
        node_hidden,
        batch.astype(jnp.int32).reshape(N_NODES_C, 1),
        W1,
        b1.reshape(1, 2 * D_C),
        W2,
        b2.reshape(1, D_C),
        eps.reshape(1, 1),
        ln_gamma.reshape(1, D_C),
        ln_beta.reshape(1, D_C),
    )
    return out

# --- scband reference (transcript-rebuilt; emitter-appended) ---
"""Pipeline reference for scband-ginblock-14860586844309 (READ-ONLY COPY).

The authoritative reference and input builder live on the scoring server;
editing this copy changes nothing except your own understanding.
"""

import jax, jax.numpy as jnp
import numpy as np

N_NODES = 10000
N_EDGES = 320000
D = 128
NUM_GRAPHS = 64


def setup_inputs(seed: int = 0) -> dict:
    key = jax.random.key(seed)
    ks = jax.random.split(key, 12)
    node_hidden = jax.random.normal(ks[0], (N_NODES, D), dtype=jnp.float32)
    edge_index = jax.random.randint(ks[1], (2, N_EDGES), 0, N_NODES, dtype=jnp.int64)
    edge_hidden = jax.random.normal(ks[2], (N_EDGES, D), dtype=jnp.float32)
    batch = jnp.sort(jax.random.randint(ks[3], (N_NODES,), 0, NUM_GRAPHS, dtype=jnp.int64))
    # GIN MLP params: Linear(D, 2D) -> ReLU -> Linear(2D, D)
    s1 = 1.0 / np.sqrt(D)
    W1 = jax.random.uniform(ks[4], (D, 2 * D), dtype=jnp.float32, minval=-s1, maxval=s1)
    b1 = jax.random.uniform(ks[5], (2 * D,), dtype=jnp.float32, minval=-s1, maxval=s1)
    s2 = 1.0 / np.sqrt(2 * D)
    W2 = jax.random.uniform(ks[6], (2 * D, D), dtype=jnp.float32, minval=-s2, maxval=s2)
    b2 = jax.random.uniform(ks[7], (D,), dtype=jnp.float32, minval=-s2, maxval=s2)
    eps = jnp.array([0.1], dtype=jnp.float32)
    ln_gamma = jnp.ones((D,), dtype=jnp.float32)
    ln_beta = jnp.zeros((D,), dtype=jnp.float32)
    return {
        "node_hidden": node_hidden,
        "edge_index": edge_index,
        "edge_hidden": edge_hidden,
        "batch": batch,
        "W1": W1,
        "b1": b1,
        "W2": W2,
        "b2": b2,
        "eps": eps,
        "ln_gamma": ln_gamma,
        "ln_beta": ln_beta,
    }


def reference(node_hidden, edge_index, edge_hidden, batch, W1, b1, W2, b2, eps, ln_gamma, ln_beta):
    src = edge_index[0]
    dst = edge_index[1]
    # GIN message passing: edge_attr = edge_hidden + x[src]; scatter_sum over dst
    ea = edge_hidden + jnp.take(node_hidden, src, axis=0)
    agg = jnp.zeros_like(node_hidden).at[dst].add(ea)
    node_feat = agg + (1.0 + eps[0]) * node_hidden
    # MLP
    h = jnp.maximum(node_feat @ W1 + b1, 0.0) @ W2 + b2
    # LayerNorm
    mu = jnp.mean(h, axis=-1, keepdims=True)
    var = jnp.mean((h - mu) ** 2, axis=-1, keepdims=True)
    h = (h - mu) / jnp.sqrt(var + 1e-5) * ln_gamma + ln_beta
    # GraphNorm: divide each node by sqrt(#nodes in its graph)
    counts = jax.ops.segment_sum(jnp.ones((h.shape[0],), dtype=jnp.float32), batch, num_segments=NUM_GRAPHS)
    counts = jnp.maximum(counts, 1.0)
    h = h / jnp.sqrt(counts)[batch][:, None]
    # last_act = True -> ReLU; dropout p=0.0 -> identity
    h = jnp.maximum(h, 0.0)
    out = h + node_hidden
    return out

if __name__ == "__main__":
    import jax
    _d = setup_inputs()
    print(jax.jit(kernel)(*tuple(_d.values())))

</pallas_src>

<mosaic_0001>
#map = affine_map<(d0, d1) -> (0, 0)>
#map1 = affine_map<(d0, d1) -> (0, 0, 0)>
module attributes {stable_mosaic.version = 14 : i64} {
  func.func @_sc_body(%arg0: i32, %arg1: i32, %arg2: memref<2x320000xi32, #tpu.memory_space<hbm>>, %arg3: memref<2500x128x128xf32, #tpu.memory_space<hbm>>, %arg4: memref<10000x128xf32, #tpu.memory_space<hbm>>, %arg5: memref<2x10000x128xf32, #tpu.memory_space<hbm>>, %arg6: memref<2x128xi32, #tpu.memory_space<vmem>>, %arg7: memref<2x128xi32, #tpu.memory_space<vmem>>, %arg8: memref<2x128xi32, #tpu.memory_space<vmem>>, %arg9: memref<128x128xf32, #tpu.memory_space<vmem>>, %arg10: memref<128x128xf32, #tpu.memory_space<vmem>>, %arg11: memref<128x128xf32, #tpu.memory_space<vmem>>, %arg12: memref<10000x128xf32, #tpu.memory_space<vmem_shared>>, %arg13: memref<!tpu.dma_semaphore, #tpu.memory_space<semaphore_mem>>, %arg14: memref<!tpu.dma_semaphore, #tpu.memory_space<semaphore_mem>>, %arg15: memref<!tpu.dma_semaphore, #tpu.memory_space<semaphore_mem>>, %arg16: memref<!tpu.dma_semaphore, #tpu.memory_space<semaphore_mem>>, %arg17: memref<!tpu.dma_semaphore, #tpu.memory_space<semaphore_mem>>, %arg18: memref<!tpu.dma_semaphore, #tpu.memory_space<semaphore_mem>>, %arg19: memref<!tpu.dma_semaphore, #tpu.memory_space<semaphore_mem>>, %arg20: memref<!tpu.dma_semaphore, #tpu.memory_space<semaphore_mem>>, %arg21: memref<!tpu.dma_semaphore, #tpu.memory_space<semaphore_mem>>) attributes {dimension_semantics = [#tpu.dimension_semantics<core_parallel>, #tpu.dimension_semantics<subcore_parallel>], iteration_bounds = array<i64: 2, 16>, scalar_prefetch = 0 : i64, scratch_operands = 16 : i64, tpu.core_type = #tpu.core_type<sc_vector_subcore>, window_params = [{transform_indices = #map}, {transform_indices = #map1}, {transform_indices = #map}, {transform_indices = #map1}]} {
    %mul3A = arith.constant 2 : i32
    %mul3A_0 = arith.muli %arg1, %mul3A : i32
    %add3A = arith.addi %mul3A_0, %arg0 : i32
    %lt3A = arith.constant 4 : i32
    %lt3A_1 = arith.cmpi slt, %add3A, %lt3A : i32
    %jit3A = arith.constant 79 : i32
    %jit3A_2 = arith.constant 78 : i32
    %select_n3A = arith.select %lt3A_1, %jit3A, %jit3A_2 : i32
    %lt3A_3 = arith.constant 4 : i32
    %lt3A_4 = arith.cmpi slt, %add3A, %lt3A_3 : i32
    %mul3A_5 = arith.constant 79 : i32
    %mul3A_6 = arith.muli %add3A, %mul3A_5 : i32
    %mul3A_7 = arith.constant 78 : i32
    %mul3A_8 = arith.muli %add3A, %mul3A_7 : i32
    %add3A_9 = arith.constant 4 : i32
    %add3A_10 = arith.addi %add3A_9, %mul3A_8 : i32
    %select_n3A_11 = arith.select %lt3A_4, %mul3A_6, %add3A_10 : i32
    %add3A_12 = arith.constant 0 : i32
    %add3A_13 = arith.addi %select_n3A_11, %add3A_12 : i32
    %mul3A_14 = arith.constant 128 : i32
    %mul3A_15 = arith.muli %add3A_13, %mul3A_14 : i32
    %dma_start3A = arith.constant 1 : i32
    %dma_start3A_16 = arith.constant 1 : i32
    %dma_start3A_17 = arith.constant 0 : i32
    %dma_start3A_18 = tpu.memref_slice %arg6[%dma_start3A_16, %dma_start3A_17] : memref<2x128xi32, #tpu.memory_space<vmem>> -> memref<1x128xi32, #tpu.memory_space<vmem>>
    %dma_start3A_19 = tpu.memref_squeeze %dma_start3A_18 : memref<1x128xi32, #tpu.memory_space<vmem>> -> memref<128xi32, #tpu.memory_space<vmem>>
    %dma_start3A_20 = tpu.memref_slice %arg2[%dma_start3A, %mul3A_15] : memref<2x320000xi32, #tpu.memory_space<hbm>> -> memref<1x128xi32, #tpu.memory_space<hbm>>
    %dma_start3A_21 = tpu.memref_squeeze %dma_start3A_20 : memref<1x128xi32, #tpu.memory_space<hbm>> -> memref<128xi32, #tpu.memory_space<hbm>>
    %dma_start3A_22 = arith.constant 0 : i32
    %dma_start3A_23 = tpu.memref_slice %arg6[%dma_start3A_16, %dma_start3A_22] : memref<2x128xi32, #tpu.memory_space<vmem>> -> memref<1x128xi32, #tpu.memory_space<vmem>>
    %dma_start3A_24 = tpu.memref_squeeze %dma_start3A_23 : memref<1x128xi32, #tpu.memory_space<vmem>> -> memref<128xi32, #tpu.memory_space<vmem>>
    %dma_start3A_25 = tpu.memref_slice %arg2[%dma_start3A, %mul3A_15] : memref<2x320000xi32, #tpu.memory_space<hbm>> -> memref<1x128xi32, #tpu.memory_space<hbm>>
    %dma_start3A_26 = tpu.memref_squeeze %dma_start3A_25 : memref<1x128xi32, #tpu.memory_space<hbm>> -> memref<128xi32, #tpu.memory_space<hbm>>
    tpu.enqueue_dma source(%dma_start3A_26 : memref<128xi32, #tpu.memory_space<hbm>>) target(%dma_start3A_24 : memref<128xi32, #tpu.memory_space<vmem>>) target_semaphore(%arg13 : memref<!tpu.dma_semaphore, #tpu.memory_space<semaphore_mem>>)
    %add3A_27 = arith.constant 1 : i32
    %add3A_28 = arith.addi %select_n3A_11, %add3A_27 : i32
    %mul3A_29 = arith.constant 128 : i32
    %mul3A_30 = arith.muli %add3A_28, %mul3A_29 : i32
    %dma_start3A_31 = arith.constant 1 : i32
    %dma_start3A_32 = arith.constant 1 : i32
    %dma_start3A_33 = arith.constant 0 : i32
    %dma_start3A_34 = tpu.memref_slice %arg7[%dma_start3A_32, %dma_start3A_33] : memref<2x128xi32, #tpu.memory_space<vmem>> -> memref<1x128xi32, #tpu.memory_space<vmem>>
    %dma_start3A_35 = tpu.memref_squeeze %dma_start3A_34 : memref<1x128xi32, #tpu.memory_space<vmem>> -> memref<128xi32, #tpu.memory_space<vmem>>
    %dma_start3A_36 = tpu.memref_slice %arg2[%dma_start3A_31, %mul3A_30] : memref<2x320000xi32, #tpu.memory_space<hbm>> -> memref<1x128xi32, #tpu.memory_space<hbm>>
    %dma_start3A_37 = tpu.memref_squeeze %dma_start3A_36 : memref<1x128xi32, #tpu.memory_space<hbm>> -> memref<128xi32, #tpu.memory_space<hbm>>
    %dma_start3A_38 = arith.constant 0 : i32
    %dma_start3A_39 = tpu.memref_slice %arg7[%dma_start3A_32, %dma_start3A_38] : memref<2x128xi32, #tpu.memory_space<vmem>> -> memref<1x128xi32, #tpu.memory_space<vmem>>
    %dma_start3A_40 = tpu.memref_squeeze %dma_start3A_39 : memref<1x128xi32, #tpu.memory_space<vmem>> -> memref<128xi32, #tpu.memory_space<vmem>>
    %dma_start3A_41 = tpu.memref_slice %arg2[%dma_start3A_31, %mul3A_30] : memref<2x320000xi32, #tpu.memory_space<hbm>> -> memref<1x128xi32, #tpu.memory_space<hbm>>
    %dma_start3A_42 = tpu.memref_squeeze %dma_start3A_41 : memref<1x128xi32, #tpu.memory_space<hbm>> -> memref<128xi32, #tpu.memory_space<hbm>>
    tpu.enqueue_dma source(%dma_start3A_42 : memref<128xi32, #tpu.memory_space<hbm>>) target(%dma_start3A_40 : memref<128xi32, #tpu.memory_space<vmem>>) target_semaphore(%arg14 : memref<!tpu.dma_semaphore, #tpu.memory_space<semaphore_mem>>)
    %add3A_43 = arith.constant 2 : i32
    %add3A_44 = arith.addi %select_n3A_11, %add3A_43 : i32
    %mul3A_45 = arith.constant 128 : i32
    %mul3A_46 = arith.muli %add3A_44, %mul3A_45 : i32
    %dma_start3A_47 = arith.constant 1 : i32
    %dma_start3A_48 = arith.constant 1 : i32
    %dma_start3A_49 = arith.constant 0 : i32
    %dma_start3A_50 = tpu.memref_slice %arg8[%dma_start3A_48, %dma_start3A_49] : memref<2x128xi32, #tpu.memory_space<vmem>> -> memref<1x128xi32, #tpu.memory_space<vmem>>
    %dma_start3A_51 = tpu.memref_squeeze %dma_start3A_50 : memref<1x128xi32, #tpu.memory_space<vmem>> -> memref<128xi32, #tpu.memory_space<vmem>>
    %dma_start3A_52 = tpu.memref_slice %arg2[%dma_start3A_47, %mul3A_46] : memref<2x320000xi32, #tpu.memory_space<hbm>> -> memref<1x128xi32, #tpu.memory_space<hbm>>
    %dma_start3A_53 = tpu.memref_squeeze %dma_start3A_52 : memref<1x128xi32, #tpu.memory_space<hbm>> -> memref<128xi32, #tpu.memory_space<hbm>>
    %dma_start3A_54 = arith.constant 0 : i32
    %dma_start3A_55 = tpu.memref_slice %arg8[%dma_start3A_48, %dma_start3A_54] : memref<2x128xi32, #tpu.memory_space<vmem>> -> memref<1x128xi32, #tpu.memory_space<vmem>>
    %dma_start3A_56 = tpu.memref_squeeze %dma_start3A_55 : memref<1x128xi32, #tpu.memory_space<vmem>> -> memref<128xi32, #tpu.memory_space<vmem>>
    %dma_start3A_57 = tpu.memref_slice %arg2[%dma_start3A_47, %mul3A_46] : memref<2x320000xi32, #tpu.memory_space<hbm>> -> memref<1x128xi32, #tpu.memory_space<hbm>>
    %dma_start3A_58 = tpu.memref_squeeze %dma_start3A_57 : memref<1x128xi32, #tpu.memory_space<hbm>> -> memref<128xi32, #tpu.memory_space<hbm>>
    tpu.enqueue_dma source(%dma_start3A_58 : memref<128xi32, #tpu.memory_space<hbm>>) target(%dma_start3A_56 : memref<128xi32, #tpu.memory_space<vmem>>) target_semaphore(%arg15 : memref<!tpu.dma_semaphore, #tpu.memory_space<semaphore_mem>>)
    %add3A_59 = arith.constant 0 : i32
    %add3A_60 = arith.addi %select_n3A_11, %add3A_59 : i32
    %dma_start3A_61 = arith.constant 0 : i32
    %dma_start3A_62 = arith.constant 0 : i32
    %dma_start3A_63 = tpu.memref_slice %arg3[%add3A_60, %dma_start3A_61, %dma_start3A_62] : memref<2500x128x128xf32, #tpu.memory_space<hbm>> -> memref<1x128x128xf32, #tpu.memory_space<hbm>>
    %dma_start3A_64 = tpu.memref_squeeze %dma_start3A_63 : memref<1x128x128xf32, #tpu.memory_space<hbm>> -> memref<128x128xf32, #tpu.memory_space<hbm>>
    %dma_start3A_65 = arith.constant 0 : i32
    %dma_start3A_66 = arith.constant 0 : i32
    %dma_start3A_67 = tpu.memref_slice %arg3[%add3A_60, %dma_start3A_65, %dma_start3A_66] : memref<2500x128x128xf32, #tpu.memory_space<hbm>> -> memref<1x128x128xf32, #tpu.memory_space<hbm>>
    %dma_start3A_68 = tpu.memref_squeeze %dma_start3A_67 : memref<1x128x128xf32, #tpu.memory_space<hbm>> -> memref<128x128xf32, #tpu.memory_space<hbm>>
    tpu.enqueue_dma source(%dma_start3A_68 : memref<128x128xf32, #tpu.memory_space<hbm>>) target(%arg9 : memref<128x128xf32, #tpu.memory_space<vmem>>) target_semaphore(%arg16 : memref<!tpu.dma_semaphore, #tpu.memory_space<semaphore_mem>>)
    %add3A_69 = arith.constant 1 : i32
    %add3A_70 = arith.addi %select_n3A_11, %add3A_69 : i32
    %dma_start3A_71 = arith.constant 0 : i32
    %dma_start3A_72 = arith.constant 0 : i32
    %dma_start3A_73 = tpu.memref_slice %arg3[%add3A_70, %dma_start3A_71, %dma_start3A_72] : memref<2500x128x128xf32, #tpu.memory_space<hbm>> -> memref<1x128x128xf32, #tpu.memory_space<hbm>>
    %dma_start3A_74 = tpu.memref_squeeze %dma_start3A_73 : memref<1x128x128xf32, #tpu.memory_space<hbm>> -> memref<128x128xf32, #tpu.memory_space<hbm>>
    %dma_start3A_75 = arith.constant 0 : i32
    %dma_start3A_76 = arith.constant 0 : i32
    %dma_start3A_77 = tpu.memref_slice %arg3[%add3A_70, %dma_start3A_75, %dma_start3A_76] : memref<2500x128x128xf32, #tpu.memory_space<hbm>> -> memref<1x128x128xf32, #tpu.memory_space<hbm>>
    %dma_start3A_78 = tpu.memref_squeeze %dma_start3A_77 : memref<1x128x128xf32, #tpu.memory_space<hbm>> -> memref<128x128xf32, #tpu.memory_space<hbm>>
    tpu.enqueue_dma source(%dma_start3A_78 : memref<128x128xf32, #tpu.memory_space<hbm>>) target(%arg10 : memref<128x128xf32, #tpu.memory_space<vmem>>) target_semaphore(%arg17 : memref<!tpu.dma_semaphore, #tpu.memory_space<semaphore_mem>>)
    %broadcast_in_dim3A = arith.constant 0.000000e+00 : f32
    %broadcast_in_dim3A_79 = vector.broadcast %broadcast_in_dim3A : f32 to vector<16xf32>
    %scan3A = arith.constant 0 : i32
    %scan3A_80 = arith.constant 80 : i32
    %scan3A_81 = arith.addi %scan3A, %scan3A_80 : i32
    %scan3A_82 = arith.constant 1 : i32
    scf.for %scan3A_268 = %scan3A to %scan3A_81 step %scan3A_82  : i32 {
      %mul3A_269 = arith.constant 1 : i32
      %mul3A_270 = arith.muli %scan3A_268, %mul3A_269 : i32
      %add3A_271 = arith.constant 0 : i32
      %add3A_272 = arith.addi %add3A_271, %mul3A_270 : i32
      %swap3A = arith.index_cast %add3A_272 : i32 to index
      %swap3A_273 = arith.constant 0 : index
      %swap3A_274 = tpu.vector_load %arg11[%swap3A, %swap3A_273] {strides = array<i32>} : memref<128x128xf32, #tpu.memory_space<vmem>>, vector<1x16xf32>,
      %swap3A_275 = vector.shape_cast %swap3A_274 : vector<1x16xf32> to vector<16xf32>
      %swap3A_276 = vector.shape_cast %broadcast_in_dim3A_79 : vector<16xf32> to vector<1x16xf32>
      tpu.vector_store %arg11[%swap3A, %swap3A_273], %swap3A_276 {strides = array<i32>} : memref<128x128xf32, #tpu.memory_space<vmem>>, vector<1x16xf32>,
      %swap3A_277 = arith.index_cast %add3A_272 : i32 to index
      %swap3A_278 = arith.constant 16 : index
      %swap3A_279 = tpu.vector_load %arg11[%swap3A_277, %swap3A_278] {strides = array<i32>} : memref<128x128xf32, #tpu.memory_space<vmem>>, vector<1x16xf32>,
      %swap3A_280 = vector.shape_cast %swap3A_279 : vector<1x16xf32> to vector<16xf32>
      %swap3A_281 = vector.shape_cast %broadcast_in_dim3A_79 : vector<16xf32> to vector<1x16xf32>
      tpu.vector_store %arg11[%swap3A_277, %swap3A_278], %swap3A_281 {strides = array<i32>} : memref<128x128xf32, #tpu.memory_space<vmem>>, vector<1x16xf32>,
      %swap3A_282 = arith.index_cast %add3A_272 : i32 to index
      %swap3A_283 = arith.constant 32 : index
      %swap3A_284 = tpu.vector_load %arg11[%swap3A_282, %swap3A_283] {strides = array<i32>} : memref<128x128xf32, #tpu.memory_space<vmem>>, vector<1x16xf32>,
      %swap3A_285 = vector.shape_cast %swap3A_284 : vector<1x16xf32> to vector<16xf32>
      %swap3A_286 = vector.shape_cast %broadcast_in_dim3A_79 : vector<16xf32> to vector<1x16xf32>
      tpu.vector_store %arg11[%swap3A_282, %swap3A_283], %swap3A_286 {strides = array<i32>} : memref<128x128xf32, #tpu.memory_space<vmem>>, vector<1x16xf32>,
      %swap3A_287 = arith.index_cast %add3A_272 : i32 to index
      %swap3A_288 = arith.constant 48 : index
      %swap3A_289 = tpu.vector_load %arg11[%swap3A_287, %swap3A_288] {strides = array<i32>} : memref<128x128xf32, #tpu.memory_space<vmem>>, vector<1x16xf32>,
      %swap3A_290 = vector.shape_cast %swap3A_289 : vector<1x16xf32> to vector<16xf32>
      %swap3A_291 = vector.shape_cast %broadcast_in_dim3A_79 : vector<16xf32> to vector<1x16xf32>
      tpu.vector_store %arg11[%swap3A_287, %swap3A_288], %swap3A_291 {strides = array<i32>} : memref<128x128xf32, #tpu.memory_space<vmem>>, vector<1x16xf32>,
      %swap3A_292 = arith.index_cast %add3A_272 : i32 to index
      %swap3A_293 = arith.constant 64 : index
      %swap3A_294 = tpu.vector_load %arg11[%swap3A_292, %swap3A_293] {strides = array<i32>} : memref<128x128xf32, #tpu.memory_space<vmem>>, vector<1x16xf32>,
      %swap3A_295 = vector.shape_cast %swap3A_294 : vector<1x16xf32> to vector<16xf32>
      %swap3A_296 = vector.shape_cast %broadcast_in_dim3A_79 : vector<16xf32> to vector<1x16xf32>
      tpu.vector_store %arg11[%swap3A_292, %swap3A_293], %swap3A_296 {strides = array<i32>} : memref<128x128xf32, #tpu.memory_space<vmem>>, vector<1x16xf32>,
      %swap3A_297 = arith.index_cast %add3A_272 : i32 to index
      %swap3A_298 = arith.constant 80 : index
      %swap3A_299 = tpu.vector_load %arg11[%swap3A_297, %swap3A_298] {strides = array<i32>} : memref<128x128xf32, #tpu.memory_space<vmem>>, vector<1x16xf32>,
      %swap3A_300 = vector.shape_cast %swap3A_299 : vector<1x16xf32> to vector<16xf32>
      %swap3A_301 = vector.shape_cast %broadcast_in_dim3A_79 : vector<16xf32> to vector<1x16xf32>
      tpu.vector_store %arg11[%swap3A_297, %swap3A_298], %swap3A_301 {strides = array<i32>} : memref<128x128xf32, #tpu.memory_space<vmem>>, vector<1x16xf32>,
      %swap3A_302 = arith.index_cast %add3A_272 : i32 to index
      %swap3A_303 = arith.constant 96 : index
      %swap3A_304 = tpu.vector_load %arg11[%swap3A_302, %swap3A_303] {strides = array<i32>} : memref<128x128xf32, #tpu.memory_space<vmem>>, vector<1x16xf32>,
      %swap3A_305 = vector.shape_cast %swap3A_304 : vector<1x16xf32> to vector<16xf32>
      %swap3A_306 = vector.shape_cast %broadcast_in_dim3A_79 : vector<16xf32> to vector<1x16xf32>
      tpu.vector_store %arg11[%swap3A_302, %swap3A_303], %swap3A_306 {strides = array<i32>} : memref<128x128xf32, #tpu.memory_space<vmem>>, vector<1x16xf32>,
      %swap3A_307 = arith.index_cast %add3A_272 : i32 to index
      %swap3A_308 = arith.constant 112 : index
      %swap3A_309 = tpu.vector_load %arg11[%swap3A_307, %swap3A_308] {strides = array<i32>} : memref<128x128xf32, #tpu.memory_space<vmem>>, vector<1x16xf32>,
      %swap3A_310 = vector.shape_cast %swap3A_309 : vector<1x16xf32> to vector<16xf32>
      %swap3A_311 = vector.shape_cast %broadcast_in_dim3A_79 : vector<16xf32> to vector<1x16xf32>
      tpu.vector_store %arg11[%swap3A_307, %swap3A_308], %swap3A_311 {strides = array<i32>} : memref<128x128xf32, #tpu.memory_space<vmem>>, vector<1x16xf32>,
    }
    %scan3A_83 = arith.constant 80 : i32
    %scan3A_84 = arith.constant 0 : i32
    %scan3A_85 = arith.constant 8 : i32
    %scan3A_86 = arith.addi %scan3A_84, %scan3A_85 : i32
    %scan3A_87 = arith.constant 1 : i32
    scf.for %scan3A_268 = %scan3A_84 to %scan3A_86 step %scan3A_87  : i32 {
      %mul3A_269 = arith.constant 1 : i32
      %mul3A_270 = arith.muli %scan3A_268, %mul3A_269 : i32
      %add3A_271 = arith.constant 0 : i32
      %add3A_272 = arith.addi %add3A_271, %mul3A_270 : i32
      %mul3A_273 = arith.constant 16 : i32
      %mul3A_274 = arith.muli %add3A_272, %mul3A_273 : i32
      %add3A_275 = arith.addi %mul3A_274, %arg1 : i32
      %lt3A_276 = arith.constant 125 : i32
      %lt3A_277 = arith.cmpi slt, %add3A_275, %lt3A_276 : i32
      %convert_element_type3A = arith.extui %lt3A_277 : i1 to i32
      %cond3A = arith.constant 0 : i32
      %cond3A_278 = arith.cmpi ne, %convert_element_type3A, %cond3A : i32
      scf.if %cond3A_278 {
        %mul3A_279 = arith.constant 80 : i32
        %mul3A_280 = arith.muli %add3A_275, %mul3A_279 : i32
        "tpu.region"() ({
          %run_scoped3A = tpu.sem_alloc : memref<!tpu.dma_semaphore, #tpu.memory_space<semaphore_mem>>
          %dma_start3A_281 = arith.constant 0 : i32
          %dma_start3A_282 = arith.constant 0 : i32
          %dma_start3A_283 = tpu.memref_slice %arg11[%dma_start3A_281, %dma_start3A_282] : memref<128x128xf32, #tpu.memory_space<vmem>> -> memref<80x128xf32, #tpu.memory_space<vmem>>
          %dma_start3A_284 = arith.constant 0 : i32
          %dma_start3A_285 = tpu.memref_slice %arg12[%mul3A_280, %dma_start3A_284] : memref<10000x128xf32, #tpu.memory_space<vmem_shared>> -> memref<80x128xf32, #tpu.memory_space<vmem_shared>>
          %dma_start3A_286 = arith.constant 0 : i32
          %dma_start3A_287 = tpu.memref_slice %arg12[%mul3A_280, %dma_start3A_286] : memref<10000x128xf32, #tpu.memory_space<vmem_shared>> -> memref<80x128xf32, #tpu.memory_space<vmem_shared>>
          %dma_start3A_288 = arith.constant 0 : i32
          %dma_start3A_289 = arith.constant 0 : i32
          %dma_start3A_290 = tpu.memref_slice %arg11[%dma_start3A_288, %dma_start3A_289] : memref<128x128xf32, #tpu.memory_space<vmem>> -> memref<80x128xf32, #tpu.memory_space<vmem>>
          tpu.enqueue_dma source(%dma_start3A_290 : memref<80x128xf32, #tpu.memory_space<vmem>>) target(%dma_start3A_287 : memref<80x128xf32, #tpu.memory_space<vmem_shared>>) target_semaphore(%run_scoped3A : memref<!tpu.dma_semaphore, #tpu.memory_space<semaphore_mem>>)
          %dma_wait3A_291 = arith.constant 0 : i32
          %dma_wait3A_292 = arith.constant 0 : i32
          %dma_wait3A_293 = tpu.memref_slice %arg11[%dma_wait3A_291, %dma_wait3A_292] : memref<128x128xf32, #tpu.memory_space<vmem>> -> memref<80x128xf32, #tpu.memory_space<vmem>>
          %dma_wait3A_294 = arith.constant 0 : i32
          %dma_wait3A_295 = tpu.memref_slice %arg12[%mul3A_280, %dma_wait3A_294] : memref<10000x128xf32, #tpu.memory_space<vmem_shared>> -> memref<80x128xf32, #tpu.memory_space<vmem_shared>>
          %dma_wait3A_296 = arith.constant 0 : i32
          %dma_wait3A_297 = tpu.memref_slice %arg12[%mul3A_280, %dma_wait3A_296] : memref<10000x128xf32, #tpu.memory_space<vmem_shared>> -> memref<80x128xf32, #tpu.memory_space<vmem_shared>>
          %dma_wait3A_298 = arith.constant 0 : i32
          %dma_wait3A_299 = arith.constant 0 : i32
          %dma_wait3A_300 = tpu.memref_slice %arg11[%dma_wait3A_298, %dma_wait3A_299] : memref<128x128xf32, #tpu.memory_space<vmem>> -> memref<80x128xf32, #tpu.memory_space<vmem>>
          tpu.wait_dma2 semaphore(%run_scoped3A : memref<!tpu.dma_semaphore, #tpu.memory_space<semaphore_mem>>) src(%dma_wait3A_300 : memref<80x128xf32, #tpu.memory_space<vmem>>) dst(%dma_wait3A_297 : memref<80x128xf32, #tpu.memory_space<vmem_shared>>)
          tpu.yield
        }) : () -> ()
      } else {
      }
    }
    %scan3A_88 = arith.constant 8 : i32
    %barrier3A = arith.constant 0 : index
    tpu.barrier barrier_id(%barrier3A)
    %add3A_89 = arith.constant 2 : i32
    %add3A_90 = arith.addi %select_n3A_11, %add3A_89 : i32
    %dma_start3A_91 = arith.constant 0 : i32
    %dma_start3A_92 = arith.constant 0 : i32
    %dma_start3A_93 = tpu.memref_slice %arg3[%add3A_90, %dma_start3A_91, %dma_start3A_92] : memref<2500x128x128xf32, #tpu.memory_space<hbm>> -> memref<1x128x128xf32, #tpu.memory_space<hbm>>
    %dma_start3A_94 = tpu.memref_squeeze %dma_start3A_93 : memref<1x128x128xf32, #tpu.memory_space<hbm>> -> memref<128x128xf32, #tpu.memory_space<hbm>>
    %dma_start3A_95 = arith.constant 0 : i32
    %dma_start3A_96 = arith.constant 0 : i32
    %dma_start3A_97 = tpu.memref_slice %arg3[%add3A_90, %dma_start3A_95, %dma_start3A_96] : memref<2500x128x128xf32, #tpu.memory_space<hbm>> -> memref<1x128x128xf32, #tpu.memory_space<hbm>>
    %dma_start3A_98 = tpu.memref_squeeze %dma_start3A_97 : memref<1x128x128xf32, #tpu.memory_space<hbm>> -> memref<128x128xf32, #tpu.memory_space<hbm>>
    tpu.enqueue_dma source(%dma_start3A_98 : memref<128x128xf32, #tpu.memory_space<hbm>>) target(%arg11 : memref<128x128xf32, #tpu.memory_space<vmem>>) target_semaphore(%arg18 : memref<!tpu.dma_semaphore, #tpu.memory_space<semaphore_mem>>)
    %scan3A_99 = arith.constant 0 : i32
    %scan3A_100 = arith.constant 27 : i32
    %scan3A_101 = arith.addi %scan3A_99, %scan3A_100 : i32
    %scan3A_102 = arith.constant 1 : i32
    scf.for %scan3A_268 = %scan3A_99 to %scan3A_101 step %scan3A_102  : i32 {
      %mul3A_269 = arith.constant 1 : i32
      %mul3A_270 = arith.muli %scan3A_268, %mul3A_269 : i32
      %add3A_271 = arith.constant 0 : i32
      %add3A_272 = arith.addi %add3A_271, %mul3A_270 : i32
      %mul3A_273 = arith.constant 3 : i32
      %mul3A_274 = arith.muli %mul3A_273, %add3A_272 : i32
      %add3A_275 = arith.constant 0 : i32
      %add3A_276 = arith.addi %mul3A_274, %add3A_275 : i32
      %lt3A_277 = arith.cmpi slt, %add3A_276, %select_n3A : i32
      %convert_element_type3A = arith.extui %lt3A_277 : i1 to i32
      %cond3A = arith.constant 0 : i32
      %cond3A_278 = arith.cmpi ne, %convert_element_type3A, %cond3A : i32
      scf.if %cond3A_278 {
        %add3A_295 = arith.addi %select_n3A_11, %add3A_276 : i32
        %dma_wait3A_296 = arith.constant 0 : i32
        %dma_wait3A_297 = arith.constant 0 : i32
        %dma_wait3A_298 = tpu.memref_slice %arg3[%add3A_295, %dma_wait3A_296, %dma_wait3A_297] : memref<2500x128x128xf32, #tpu.memory_space<hbm>> -> memref<1x128x128xf32, #tpu.memory_space<hbm>>
        %dma_wait3A_299 = tpu.memref_squeeze %dma_wait3A_298 : memref<1x128x128xf32, #tpu.memory_space<hbm>> -> memref<128x128xf32, #tpu.memory_space<hbm>>
        %dma_wait3A_300 = arith.constant 0 : i32
        %dma_wait3A_301 = arith.constant 0 : i32
        %dma_wait3A_302 = tpu.memref_slice %arg3[%add3A_295, %dma_wait3A_300, %dma_wait3A_301] : memref<2500x128x128xf32, #tpu.memory_space<hbm>> -> memref<1x128x128xf32, #tpu.memory_space<hbm>>
        %dma_wait3A_303 = tpu.memref_squeeze %dma_wait3A_302 : memref<1x128x128xf32, #tpu.memory_space<hbm>> -> memref<128x128xf32, #tpu.memory_space<hbm>>
        tpu.wait_dma2 semaphore(%arg16 : memref<!tpu.dma_semaphore, #tpu.memory_space<semaphore_mem>>) src(%dma_wait3A_303 : memref<128x128xf32, #tpu.memory_space<hbm>>) dst(%arg9 : memref<128x128xf32, #tpu.memory_space<vmem>>)
        %add3A_304 = arith.addi %select_n3A_11, %add3A_276 : i32
        %mul3A_305 = arith.constant 128 : i32
        %mul3A_306 = arith.muli %add3A_304, %mul3A_305 : i32
        %dma_wait3A_307 = arith.constant 1 : i32
        %dma_wait3A_308 = arith.constant 1 : i32
        %dma_wait3A_309 = arith.constant 0 : i32
        %dma_wait3A_310 = tpu.memref_slice %arg6[%dma_wait3A_308, %dma_wait3A_309] : memref<2x128xi32, #tpu.memory_space<vmem>> -> memref<1x128xi32, #tpu.memory_space<vmem>>
        %dma_wait3A_311 = tpu.memref_squeeze %dma_wait3A_310 : memref<1x128xi32, #tpu.memory_space<vmem>> -> memref<128xi32, #tpu.memory_space<vmem>>
        %dma_wait3A_312 = tpu.memref_slice %arg2[%dma_wait3A_307, %mul3A_306] : memref<2x320000xi32, #tpu.memory_space<hbm>> -> memref<1x128xi32, #tpu.memory_space<hbm>>
        %dma_wait3A_313 = tpu.memref_squeeze %dma_wait3A_312 : memref<1x128xi32, #tpu.memory_space<hbm>> -> memref<128xi32, #tpu.memory_space<hbm>>
        %dma_wait3A_314 = arith.constant 0 : i32
        %dma_wait3A_315 = tpu.memref_slice %arg6[%dma_wait3A_308, %dma_wait3A_314] : memref<2x128xi32, #tpu.memory_space<vmem>> -> memref<1x128xi32, #tpu.memory_space<vmem>>
        %dma_wait3A_316 = tpu.memref_squeeze %dma_wait3A_315 : memref<1x128xi32, #tpu.memory_space<vmem>> -> memref<128xi32, #tpu.memory_space<vmem>>
        %dma_wait3A_317 = tpu.memref_slice %arg2[%dma_wait3A_307, %mul3A_306] : memref<2x320000xi32, #tpu.memory_space<hbm>> -> memref<1x128xi32, #tpu.memory_space<hbm>>
        %dma_wait3A_318 = tpu.memref_squeeze %dma_wait3A_317 : memref<1x128xi32, #tpu.memory_space<hbm>> -> memref<128xi32, #tpu.memory_space<hbm>>
        tpu.wait_dma2 semaphore(%arg13 : memref<!tpu.dma_semaphore, #tpu.memory_space<semaphore_mem>>) src(%dma_wait3A_318 : memref<128xi32, #tpu.memory_space<hbm>>) dst(%dma_wait3A_316 : memref<128xi32, #tpu.memory_space<vmem>>)
        %run_scoped3A = arith.constant 1 : i32
        "tpu.region"() ({
          %run_scoped3A_325 = tpu.sem_alloc : memref<!tpu.dma_semaphore, #tpu.memory_space<semaphore_mem>>
          %dma_start3A_326 = arith.constant 0 : i32
          %dma_start3A_327 = tpu.memref_slice %arg6[%run_scoped3A, %dma_start3A_326] : memref<2x128xi32, #tpu.memory_space<vmem>> -> memref<1x128xi32, #tpu.memory_space<vmem>>
          %dma_start3A_328 = tpu.memref_squeeze %dma_start3A_327 : memref<1x128xi32, #tpu.memory_space<vmem>> -> memref<128xi32, #tpu.memory_space<vmem>>
          %dma_start3A_329 = arith.constant 0 : i32
          %dma_start3A_330 = arith.constant 0 : i32
          %dma_start3A_331 = tpu.memref_slice %arg12[%dma_start3A_329, %dma_start3A_330] : memref<10000x128xf32, #tpu.memory_space<vmem_shared>> -> memref<10000x128xf32, #tpu.memory_space<vmem_shared>>
          tpu.enqueue_indirect_dma source(%arg9 : memref<128x128xf32, #tpu.memory_space<vmem>>) target(%dma_start3A_331 : memref<10000x128xf32, #tpu.memory_space<vmem_shared>>) offsets(%dma_start3A_328 : memref<128xi32, #tpu.memory_space<vmem>>) semaphore(%run_scoped3A_325 : memref<!tpu.dma_semaphore, #tpu.memory_space<semaphore_mem>>) {add = true}
          %dma_wait3A_332 = arith.constant 0 : i32
          %dma_wait3A_333 = tpu.memref_slice %arg6[%run_scoped3A, %dma_wait3A_332] : memref<2x128xi32, #tpu.memory_space<vmem>> -> memref<1x128xi32, #tpu.memory_space<vmem>>
          %dma_wait3A_334 = tpu.memref_squeeze %dma_wait3A_333 : memref<1x128xi32, #tpu.memory_space<vmem>> -> memref<128xi32, #tpu.memory_space<vmem>>
          %dma_wait3A_335 = arith.constant 0 : i32
          %dma_wait3A_336 = arith.constant 0 : i32
          %dma_wait3A_337 = tpu.memref_slice %arg12[%dma_wait3A_335, %dma_wait3A_336] : memref<10000x128xf32, #tpu.memory_space<vmem_shared>> -> memref<10000x128xf32, #tpu.memory_space<vmem_shared>>
          tpu.wait_indirect_dma semaphore(%run_scoped3A_325 : memref<!tpu.dma_semaphore, #tpu.memory_space<semaphore_mem>>) src(%arg9 : memref<128x128xf32, #tpu.memory_space<vmem>>) dst(%dma_wait3A_337 : memref<10000x128xf32, #tpu.memory_space<vmem_shared>>)
          tpu.yield
        }) : () -> ()
        %add3A_319 = arith.constant 3 : i32
        %add3A_320 = arith.addi %add3A_276, %add3A_319 : i32
        %lt3A_321 = arith.cmpi slt, %add3A_320, %select_n3A : i32
        %convert_element_type3A_322 = arith.extui %lt3A_321 : i1 to i32
        %cond3A_323 = arith.constant 0 : i32
        %cond3A_324 = arith.cmpi ne, %convert_element_type3A_322, %cond3A_323 : i32
        scf.if %cond3A_324 {
          %add3A_325 = arith.constant 3 : i32
          %add3A_326 = arith.addi %add3A_276, %add3A_325 : i32
          %add3A_327 = arith.addi %select_n3A_11, %add3A_326 : i32
          %mul3A_328 = arith.constant 128 : i32
          %mul3A_329 = arith.muli %add3A_327, %mul3A_328 : i32
          %dma_start3A_330 = arith.constant 1 : i32
          %dma_start3A_331 = arith.constant 1 : i32
          %dma_start3A_332 = arith.constant 0 : i32
          %dma_start3A_333 = tpu.memref_slice %arg6[%dma_start3A_331, %dma_start3A_332] : memref<2x128xi32, #tpu.memory_space<vmem>> -> memref<1x128xi32, #tpu.memory_space<vmem>>
          %dma_start3A_334 = tpu.memref_squeeze %dma_start3A_333 : memref<1x128xi32, #tpu.memory_space<vmem>> -> memref<128xi32, #tpu.memory_space<vmem>>
          %dma_start3A_335 = tpu.memref_slice %arg2[%dma_start3A_330, %mul3A_329] : memref<2x320000xi32, #tpu.memory_space<hbm>> -> memref<1x128xi32, #tpu.memory_space<hbm>>
          %dma_start3A_336 = tpu.memref_squeeze %dma_start3A_335 : memref<1x128xi32, #tpu.memory_space<hbm>> -> memref<128xi32, #tpu.memory_space<hbm>>
          %dma_start3A_337 = arith.constant 0 : i32
          %dma_start3A_338 = tpu.memref_slice %arg6[%dma_start3A_331, %dma_start3A_337] : memref<2x128xi32, #tpu.memory_space<vmem>> -> memref<1x128xi32, #tpu.memory_space<vmem>>
          %dma_start3A_339 = tpu.memref_squeeze %dma_start3A_338 : memref<1x128xi32, #tpu.memory_space<vmem>> -> memref<128xi32, #tpu.memory_space<vmem>>
          %dma_start3A_340 = tpu.memref_slice %arg2[%dma_start3A_330, %mul3A_329] : memref<2x320000xi32, #tpu.memory_space<hbm>> -> memref<1x128xi32, #tpu.memory_space<hbm>>
          %dma_start3A_341 = tpu.memref_squeeze %dma_start3A_340 : memref<1x128xi32, #tpu.memory_space<hbm>> -> memref<128xi32, #tpu.memory_space<hbm>>
          tpu.enqueue_dma source(%dma_start3A_341 : memref<128xi32, #tpu.memory_space<hbm>>) target(%dma_start3A_339 : memref<128xi32, #tpu.memory_space<vmem>>) target_semaphore(%arg13 : memref<!tpu.dma_semaphore, #tpu.memory_space<semaphore_mem>>)
          %add3A_342 = arith.constant 3 : i32
          %add3A_343 = arith.addi %add3A_276, %add3A_342 : i32
          %add3A_344 = arith.addi %select_n3A_11, %add3A_343 : i32
          %dma_start3A_345 = arith.constant 0 : i32
          %dma_start3A_346 = arith.constant 0 : i32
          %dma_start3A_347 = tpu.memref_slice %arg3[%add3A_344, %dma_start3A_345, %dma_start3A_346] : memref<2500x128x128xf32, #tpu.memory_space<hbm>> -> memref<1x128x128xf32, #tpu.memory_space<hbm>>
          %dma_start3A_348 = tpu.memref_squeeze %dma_start3A_347 : memref<1x128x128xf32, #tpu.memory_space<hbm>> -> memref<128x128xf32, #tpu.memory_space<hbm>>
          %dma_start3A_349 = arith.constant 0 : i32
          %dma_start3A_350 = arith.constant 0 : i32
          %dma_start3A_351 = tpu.memref_slice %arg3[%add3A_344, %dma_start3A_349, %dma_start3A_350] : memref<2500x128x128xf32, #tpu.memory_space<hbm>> -> memref<1x128x128xf32, #tpu.memory_space<hbm>>
          %dma_start3A_352 = tpu.memref_squeeze %dma_start3A_351 : memref<1x128x128xf32, #tpu.memory_space<hbm>> -> memref<128x128xf32, #tpu.memory_space<hbm>>
          tpu.enqueue_dma source(%dma_start3A_352 : memref<128x128xf32, #tpu.memory_space<hbm>>) target(%arg9 : memref<128x128xf32, #tpu.memory_space<vmem>>) target_semaphore(%arg16 : memref<!tpu.dma_semaphore, #tpu.memory_space<semaphore_mem>>)
        } else {
        }
      } else {
      }
      %mul3A_279 = arith.constant 3 : i32
      %mul3A_280 = arith.muli %mul3A_279, %add3A_272 : i32
      %add3A_281 = arith.constant 1 : i32
      %add3A_282 = arith.addi %mul3A_280, %add3A_281 : i32
      %lt3A_283 = arith.cmpi slt, %add3A_282, %select_n3A : i32
      %convert_element_type3A_284 = arith.extui %lt3A_283 : i1 to i32
      %cond3A_285 = arith.constant 0 : i32
      %cond3A_286 = arith.cmpi ne, %convert_element_type3A_284, %cond3A_285 : i32
      scf.if %cond3A_286 {
        %add3A_295 = arith.addi %select_n3A_11, %add3A_282 : i32
        %dma_wait3A_296 = arith.constant 0 : i32
        %dma_wait3A_297 = arith.constant 0 : i32
        %dma_wait3A_298 = tpu.memref_slice %arg3[%add3A_295, %dma_wait3A_296, %dma_wait3A_297] : memref<2500x128x128xf32, #tpu.memory_space<hbm>> -> memref<1x128x128xf32, #tpu.memory_space<hbm>>
        %dma_wait3A_299 = tpu.memref_squeeze %dma_wait3A_298 : memref<1x128x128xf32, #tpu.memory_space<hbm>> -> memref<128x128xf32, #tpu.memory_space<hbm>>
        %dma_wait3A_300 = arith.constant 0 : i32
        %dma_wait3A_301 = arith.constant 0 : i32
        %dma_wait3A_302 = tpu.memref_slice %arg3[%add3A_295, %dma_wait3A_300, %dma_wait3A_301] : memref<2500x128x128xf32, #tpu.memory_space<hbm>> -> memref<1x128x128xf32, #tpu.memory_space<hbm>>
        %dma_wait3A_303 = tpu.memref_squeeze %dma_wait3A_302 : memref<1x128x128xf32, #tpu.memory_space<hbm>> -> memref<128x128xf32, #tpu.memory_space<hbm>>
        tpu.wait_dma2 semaphore(%arg17 : memref<!tpu.dma_semaphore, #tpu.memory_space<semaphore_mem>>) src(%dma_wait3A_303 : memref<128x128xf32, #tpu.memory_space<hbm>>) dst(%arg10 : memref<128x128xf32, #tpu.memory_space<vmem>>)
        %add3A_304 = arith.addi %select_n3A_11, %add3A_282 : i32
        %mul3A_305 = arith.constant 128 : i32
        %mul3A_306 = arith.muli %add3A_304, %mul3A_305 : i32
        %dma_wait3A_307 = arith.constant 1 : i32
        %dma_wait3A_308 = arith.constant 1 : i32
        %dma_wait3A_309 = arith.constant 0 : i32
        %dma_wait3A_310 = tpu.memref_slice %arg7[%dma_wait3A_308, %dma_wait3A_309] : memref<2x128xi32, #tpu.memory_space<vmem>> -> memref<1x128xi32, #tpu.memory_space<vmem>>
        %dma_wait3A_311 = tpu.memref_squeeze %dma_wait3A_310 : memref<1x128xi32, #tpu.memory_space<vmem>> -> memref<128xi32, #tpu.memory_space<vmem>>
        %dma_wait3A_312 = tpu.memref_slice %arg2[%dma_wait3A_307, %mul3A_306] : memref<2x320000xi32, #tpu.memory_space<hbm>> -> memref<1x128xi32, #tpu.memory_space<hbm>>
        %dma_wait3A_313 = tpu.memref_squeeze %dma_wait3A_312 : memref<1x128xi32, #tpu.memory_space<hbm>> -> memref<128xi32, #tpu.memory_space<hbm>>
        %dma_wait3A_314 = arith.constant 0 : i32
        %dma_wait3A_315 = tpu.memref_slice %arg7[%dma_wait3A_308, %dma_wait3A_314] : memref<2x128xi32, #tpu.memory_space<vmem>> -> memref<1x128xi32, #tpu.memory_space<vmem>>
        %dma_wait3A_316 = tpu.memref_squeeze %dma_wait3A_315 : memref<1x128xi32, #tpu.memory_space<vmem>> -> memref<128xi32, #tpu.memory_space<vmem>>
        %dma_wait3A_317 = tpu.memref_slice %arg2[%dma_wait3A_307, %mul3A_306] : memref<2x320000xi32, #tpu.memory_space<hbm>> -> memref<1x128xi32, #tpu.memory_space<hbm>>
        %dma_wait3A_318 = tpu.memref_squeeze %dma_wait3A_317 : memref<1x128xi32, #tpu.memory_space<hbm>> -> memref<128xi32, #tpu.memory_space<hbm>>
        tpu.wait_dma2 semaphore(%arg14 : memref<!tpu.dma_semaphore, #tpu.memory_space<semaphore_mem>>) src(%dma_wait3A_318 : memref<128xi32, #tpu.memory_space<hbm>>) dst(%dma_wait3A_316 : memref<128xi32, #tpu.memory_space<vmem>>)
        %run_scoped3A = arith.constant 1 : i32
        "tpu.region"() ({
          %run_scoped3A_325 = tpu.sem_alloc : memref<!tpu.dma_semaphore, #tpu.memory_space<semaphore_mem>>
          %dma_start3A_326 = arith.constant 0 : i32
          %dma_start3A_327 = tpu.memref_slice %arg7[%run_scoped3A, %dma_start3A_326] : memref<2x128xi32, #tpu.memory_space<vmem>> -> memref<1x128xi32, #tpu.memory_space<vmem>>
          %dma_start3A_328 = tpu.memref_squeeze %dma_start3A_327 : memref<1x128xi32, #tpu.memory_space<vmem>> -> memref<128xi32, #tpu.memory_space<vmem>>
          %dma_start3A_329 = arith.constant 0 : i32
          %dma_start3A_330 = arith.constant 0 : i32
          %dma_start3A_331 = tpu.memref_slice %arg12[%dma_start3A_329, %dma_start3A_330] : memref<10000x128xf32, #tpu.memory_space<vmem_shared>> -> memref<10000x128xf32, #tpu.memory_space<vmem_shared>>
          tpu.enqueue_indirect_dma source(%arg10 : memref<128x128xf32, #tpu.memory_space<vmem>>) target(%dma_start3A_331 : memref<10000x128xf32, #tpu.memory_space<vmem_shared>>) offsets(%dma_start3A_328 : memref<128xi32, #tpu.memory_space<vmem>>) semaphore(%run_scoped3A_325 : memref<!tpu.dma_semaphore, #tpu.memory_space<semaphore_mem>>) {add = true}
          %dma_wait3A_332 = arith.constant 0 : i32
          %dma_wait3A_333 = tpu.memref_slice %arg7[%run_scoped3A, %dma_wait3A_332] : memref<2x128xi32, #tpu.memory_space<vmem>> -> memref<1x128xi32, #tpu.memory_space<vmem>>
          %dma_wait3A_334 = tpu.memref_squeeze %dma_wait3A_333 : memref<1x128xi32, #tpu.memory_space<vmem>> -> memref<128xi32, #tpu.memory_space<vmem>>
          %dma_wait3A_335 = arith.constant 0 : i32
          %dma_wait3A_336 = arith.constant 0 : i32
          %dma_wait3A_337 = tpu.memref_slice %arg12[%dma_wait3A_335, %dma_wait3A_336] : memref<10000x128xf32, #tpu.memory_space<vmem_shared>> -> memref<10000x128xf32, #tpu.memory_space<vmem_shared>>
          tpu.wait_indirect_dma semaphore(%run_scoped3A_325 : memref<!tpu.dma_semaphore, #tpu.memory_space<semaphore_mem>>) src(%arg10 : memref<128x128xf32, #tpu.memory_space<vmem>>) dst(%dma_wait3A_337 : memref<10000x128xf32, #tpu.memory_space<vmem_shared>>)
          tpu.yield
        }) : () -> ()
        %add3A_319 = arith.constant 3 : i32
        %add3A_320 = arith.addi %add3A_282, %add3A_319 : i32
        %lt3A_321 = arith.cmpi slt, %add3A_320, %select_n3A : i32
        %convert_element_type3A_322 = arith.extui %lt3A_321 : i1 to i32
        %cond3A_323 = arith.constant 0 : i32
        %cond3A_324 = arith.cmpi ne, %convert_element_type3A_322, %cond3A_323 : i32
        scf.if %cond3A_324 {
          %add3A_325 = arith.constant 3 : i32
          %add3A_326 = arith.addi %add3A_282, %add3A_325 : i32
          %add3A_327 = arith.addi %select_n3A_11, %add3A_326 : i32
          %mul3A_328 = arith.constant 128 : i32
          %mul3A_329 = arith.muli %add3A_327, %mul3A_328 : i32
          %dma_start3A_330 = arith.constant 1 : i32
          %dma_start3A_331 = arith.constant 1 : i32
          %dma_start3A_332 = arith.constant 0 : i32
          %dma_start3A_333 = tpu.memref_slice %arg7[%dma_start3A_331, %dma_start3A_332] : memref<2x128xi32, #tpu.memory_space<vmem>> -> memref<1x128xi32, #tpu.memory_space<vmem>>
          %dma_start3A_334 = tpu.memref_squeeze %dma_start3A_333 : memref<1x128xi32, #tpu.memory_space<vmem>> -> memref<128xi32, #tpu.memory_space<vmem>>
          %dma_start3A_335 = tpu.memref_slice %arg2[%dma_start3A_330, %mul3A_329] : memref<2x320000xi32, #tpu.memory_space<hbm>> -> memref<1x128xi32, #tpu.memory_space<hbm>>
          %dma_start3A_336 = tpu.memref_squeeze %dma_start3A_335 : memref<1x128xi32, #tpu.memory_space<hbm>> -> memref<128xi32, #tpu.memory_space<hbm>>
          %dma_start3A_337 = arith.constant 0 : i32
          %dma_start3A_338 = tpu.memref_slice %arg7[%dma_start3A_331, %dma_start3A_337] : memref<2x128xi32, #tpu.memory_space<vmem>> -> memref<1x128xi32, #tpu.memory_space<vmem>>
          %dma_start3A_339 = tpu.memref_squeeze %dma_start3A_338 : memref<1x128xi32, #tpu.memory_space<vmem>> -> memref<128xi32, #tpu.memory_space<vmem>>
          %dma_start3A_340 = tpu.memref_slice %arg2[%dma_start3A_330, %mul3A_329] : memref<2x320000xi32, #tpu.memory_space<hbm>> -> memref<1x128xi32, #tpu.memory_space<hbm>>
          %dma_start3A_341 = tpu.memref_squeeze %dma_start3A_340 : memref<1x128xi32, #tpu.memory_space<hbm>> -> memref<128xi32, #tpu.memory_space<hbm>>
          tpu.enqueue_dma source(%dma_start3A_341 : memref<128xi32, #tpu.memory_space<hbm>>) target(%dma_start3A_339 : memref<128xi32, #tpu.memory_space<vmem>>) target_semaphore(%arg14 : memref<!tpu.dma_semaphore, #tpu.memory_space<semaphore_mem>>)
          %add3A_342 = arith.constant 3 : i32
          %add3A_343 = arith.addi %add3A_282, %add3A_342 : i32
          %add3A_344 = arith.addi %select_n3A_11, %add3A_343 : i32
          %dma_start3A_345 = arith.constant 0 : i32
          %dma_start3A_346 = arith.constant 0 : i32
          %dma_start3A_347 = tpu.memref_slice %arg3[%add3A_344, %dma_start3A_345, %dma_start3A_346] : memref<2500x128x128xf32, #tpu.memory_space<hbm>> -> memref<1x128x128xf32, #tpu.memory_space<hbm>>
          %dma_start3A_348 = tpu.memref_squeeze %dma_start3A_347 : memref<1x128x128xf32, #tpu.memory_space<hbm>> -> memref<128x128xf32, #tpu.memory_space<hbm>>
          %dma_start3A_349 = arith.constant 0 : i32
          %dma_start3A_350 = arith.constant 0 : i32
          %dma_start3A_351 = tpu.memref_slice %arg3[%add3A_344, %dma_start3A_349, %dma_start3A_350] : memref<2500x128x128xf32, #tpu.memory_space<hbm>> -> memref<1x128x128xf32, #tpu.memory_space<hbm>>
          %dma_start3A_352 = tpu.memref_squeeze %dma_start3A_351 : memref<1x128x128xf32, #tpu.memory_space<hbm>> -> memref<128x128xf32, #tpu.memory_space<hbm>>
          tpu.enqueue_dma source(%dma_start3A_352 : memref<128x128xf32, #tpu.memory_space<hbm>>) target(%arg10 : memref<128x128xf32, #tpu.memory_space<vmem>>) target_semaphore(%arg17 : memref<!tpu.dma_semaphore, #tpu.memory_space<semaphore_mem>>)
        } else {
        }
      } else {
      }
      %mul3A_287 = arith.constant 3 : i32
      %mul3A_288 = arith.muli %mul3A_287, %add3A_272 : i32
      %add3A_289 = arith.constant 2 : i32
      %add3A_290 = arith.addi %mul3A_288, %add3A_289 : i32
      %lt3A_291 = arith.cmpi slt, %add3A_290, %select_n3A : i32
      %convert_element_type3A_292 = arith.extui %lt3A_291 : i1 to i32
      %cond3A_293 = arith.constant 0 : i32
      %cond3A_294 = arith.cmpi ne, %convert_element_type3A_292, %cond3A_293 : i32
      scf.if %cond3A_294 {
        %add3A_295 = arith.addi %select_n3A_11, %add3A_290 : i32
        %dma_wait3A_296 = arith.constant 0 : i32
        %dma_wait3A_297 = arith.constant 0 : i32
        %dma_wait3A_298 = tpu.memref_slice %arg3[%add3A_295, %dma_wait3A_296, %dma_wait3A_297] : memref<2500x128x128xf32, #tpu.memory_space<hbm>> -> memref<1x128x128xf32, #tpu.memory_space<hbm>>
        %dma_wait3A_299 = tpu.memref_squeeze %dma_wait3A_298 : memref<1x128x128xf32, #tpu.memory_space<hbm>> -> memref<128x128xf32, #tpu.memory_space<hbm>>
        %dma_wait3A_300 = arith.constant 0 : i32
        %dma_wait3A_301 = arith.constant 0 : i32
        %dma_wait3A_302 = tpu.memref_slice %arg3[%add3A_295, %dma_wait3A_300, %dma_wait3A_301] : memref<2500x128x128xf32, #tpu.memory_space<hbm>> -> memref<1x128x128xf32, #tpu.memory_space<hbm>>
        %dma_wait3A_303 = tpu.memref_squeeze %dma_wait3A_302 : memref<1x128x128xf32, #tpu.memory_space<hbm>> -> memref<128x128xf32, #tpu.memory_space<hbm>>
        tpu.wait_dma2 semaphore(%arg18 : memref<!tpu.dma_semaphore, #tpu.memory_space<semaphore_mem>>) src(%dma_wait3A_303 : memref<128x128xf32, #tpu.memory_space<hbm>>) dst(%arg11 : memref<128x128xf32, #tpu.memory_space<vmem>>)
        %add3A_304 = arith.addi %select_n3A_11, %add3A_290 : i32
        %mul3A_305 = arith.constant 128 : i32
        %mul3A_306 = arith.muli %add3A_304, %mul3A_305 : i32
        %dma_wait3A_307 = arith.constant 1 : i32
        %dma_wait3A_308 = arith.constant 1 : i32
        %dma_wait3A_309 = arith.constant 0 : i32
        %dma_wait3A_310 = tpu.memref_slice %arg8[%dma_wait3A_308, %dma_wait3A_309] : memref<2x128xi32, #tpu.memory_space<vmem>> -> memref<1x128xi32, #tpu.memory_space<vmem>>
        %dma_wait3A_311 = tpu.memref_squeeze %dma_wait3A_310 : memref<1x128xi32, #tpu.memory_space<vmem>> -> memref<128xi32, #tpu.memory_space<vmem>>
        %dma_wait3A_312 = tpu.memref_slice %arg2[%dma_wait3A_307, %mul3A_306] : memref<2x320000xi32, #tpu.memory_space<hbm>> -> memref<1x128xi32, #tpu.memory_space<hbm>>
        %dma_wait3A_313 = tpu.memref_squeeze %dma_wait3A_312 : memref<1x128xi32, #tpu.memory_space<hbm>> -> memref<128xi32, #tpu.memory_space<hbm>>
        %dma_wait3A_314 = arith.constant 0 : i32
        %dma_wait3A_315 = tpu.memref_slice %arg8[%dma_wait3A_308, %dma_wait3A_314] : memref<2x128xi32, #tpu.memory_space<vmem>> -> memref<1x128xi32, #tpu.memory_space<vmem>>
        %dma_wait3A_316 = tpu.memref_squeeze %dma_wait3A_315 : memref<1x128xi32, #tpu.memory_space<vmem>> -> memref<128xi32, #tpu.memory_space<vmem>>
        %dma_wait3A_317 = tpu.memref_slice %arg2[%dma_wait3A_307, %mul3A_306] : memref<2x320000xi32, #tpu.memory_space<hbm>> -> memref<1x128xi32, #tpu.memory_space<hbm>>
        %dma_wait3A_318 = tpu.memref_squeeze %dma_wait3A_317 : memref<1x128xi32, #tpu.memory_space<hbm>> -> memref<128xi32, #tpu.memory_space<hbm>>
        tpu.wait_dma2 semaphore(%arg15 : memref<!tpu.dma_semaphore, #tpu.memory_space<semaphore_mem>>) src(%dma_wait3A_318 : memref<128xi32, #tpu.memory_space<hbm>>) dst(%dma_wait3A_316 : memref<128xi32, #tpu.memory_space<vmem>>)
        %run_scoped3A = arith.constant 1 : i32
        "tpu.region"() ({
          %run_scoped3A_325 = tpu.sem_alloc : memref<!tpu.dma_semaphore, #tpu.memory_space<semaphore_mem>>
          %dma_start3A_326 = arith.constant 0 : i32
          %dma_start3A_327 = tpu.memref_slice %arg8[%run_scoped3A, %dma_start3A_326] : memref<2x128xi32, #tpu.memory_space<vmem>> -> memref<1x128xi32, #tpu.memory_space<vmem>>
          %dma_start3A_328 = tpu.memref_squeeze %dma_start3A_327 : memref<1x128xi32, #tpu.memory_space<vmem>> -> memref<128xi32, #tpu.memory_space<vmem>>
          %dma_start3A_329 = arith.constant 0 : i32
          %dma_start3A_330 = arith.constant 0 : i32
          %dma_start3A_331 = tpu.memref_slice %arg12[%dma_start3A_329, %dma_start3A_330] : memref<10000x128xf32, #tpu.memory_space<vmem_shared>> -> memref<10000x128xf32, #tpu.memory_space<vmem_shared>>
          tpu.enqueue_indirect_dma source(%arg11 : memref<128x128xf32, #tpu.memory_space<vmem>>) target(%dma_start3A_331 : memref<10000x128xf32, #tpu.memory_space<vmem_shared>>) offsets(%dma_start3A_328 : memref<128xi32, #tpu.memory_space<vmem>>) semaphore(%run_scoped3A_325 : memref<!tpu.dma_semaphore, #tpu.memory_space<semaphore_mem>>) {add = true}
          %dma_wait3A_332 = arith.constant 0 : i32
          %dma_wait3A_333 = tpu.memref_slice %arg8[%run_scoped3A, %dma_wait3A_332] : memref<2x128xi32, #tpu.memory_space<vmem>> -> memref<1x128xi32, #tpu.memory_space<vmem>>
          %dma_wait3A_334 = tpu.memref_squeeze %dma_wait3A_333 : memref<1x128xi32, #tpu.memory_space<vmem>> -> memref<128xi32, #tpu.memory_space<vmem>>
          %dma_wait3A_335 = arith.constant 0 : i32
          %dma_wait3A_336 = arith.constant 0 : i32
          %dma_wait3A_337 = tpu.memref_slice %arg12[%dma_wait3A_335, %dma_wait3A_336] : memref<10000x128xf32, #tpu.memory_space<vmem_shared>> -> memref<10000x128xf32, #tpu.memory_space<vmem_shared>>
          tpu.wait_indirect_dma semaphore(%run_scoped3A_325 : memref<!tpu.dma_semaphore, #tpu.memory_space<semaphore_mem>>) src(%arg11 : memref<128x128xf32, #tpu.memory_space<vmem>>) dst(%dma_wait3A_337 : memref<10000x128xf32, #tpu.memory_space<vmem_shared>>)
          tpu.yield
        }) : () -> ()
        %add3A_319 = arith.constant 3 : i32
        %add3A_320 = arith.addi %add3A_290, %add3A_319 : i32
        %lt3A_321 = arith.cmpi slt, %add3A_320, %select_n3A : i32
        %convert_element_type3A_322 = arith.extui %lt3A_321 : i1 to i32
        %cond3A_323 = arith.constant 0 : i32
        %cond3A_324 = arith.cmpi ne, %convert_element_type3A_322, %cond3A_323 : i32
        scf.if %cond3A_324 {
          %add3A_325 = arith.constant 3 : i32
          %add3A_326 = arith.addi %add3A_290, %add3A_325 : i32
          %add3A_327 = arith.addi %select_n3A_11, %add3A_326 : i32
          %mul3A_328 = arith.constant 128 : i32
          %mul3A_329 = arith.muli %add3A_327, %mul3A_328 : i32
          %dma_start3A_330 = arith.constant 1 : i32
          %dma_start3A_331 = arith.constant 1 : i32
          %dma_start3A_332 = arith.constant 0 : i32
          %dma_start3A_333 = tpu.memref_slice %arg8[%dma_start3A_331, %dma_start3A_332] : memref<2x128xi32, #tpu.memory_space<vmem>> -> memref<1x128xi32, #tpu.memory_space<vmem>>
          %dma_start3A_334 = tpu.memref_squeeze %dma_start3A_333 : memref<1x128xi32, #tpu.memory_space<vmem>> -> memref<128xi32, #tpu.memory_space<vmem>>
          %dma_start3A_335 = tpu.memref_slice %arg2[%dma_start3A_330, %mul3A_329] : memref<2x320000xi32, #tpu.memory_space<hbm>> -> memref<1x128xi32, #tpu.memory_space<hbm>>
          %dma_start3A_336 = tpu.memref_squeeze %dma_start3A_335 : memref<1x128xi32, #tpu.memory_space<hbm>> -> memref<128xi32, #tpu.memory_space<hbm>>
          %dma_start3A_337 = arith.constant 0 : i32
          %dma_start3A_338 = tpu.memref_slice %arg8[%dma_start3A_331, %dma_start3A_337] : memref<2x128xi32, #tpu.memory_space<vmem>> -> memref<1x128xi32, #tpu.memory_space<vmem>>
          %dma_start3A_339 = tpu.memref_squeeze %dma_start3A_338 : memref<1x128xi32, #tpu.memory_space<vmem>> -> memref<128xi32, #tpu.memory_space<vmem>>
          %dma_start3A_340 = tpu.memref_slice %arg2[%dma_start3A_330, %mul3A_329] : memref<2x320000xi32, #tpu.memory_space<hbm>> -> memref<1x128xi32, #tpu.memory_space<hbm>>
          %dma_start3A_341 = tpu.memref_squeeze %dma_start3A_340 : memref<1x128xi32, #tpu.memory_space<hbm>> -> memref<128xi32, #tpu.memory_space<hbm>>
          tpu.enqueue_dma source(%dma_start3A_341 : memref<128xi32, #tpu.memory_space<hbm>>) target(%dma_start3A_339 : memref<128xi32, #tpu.memory_space<vmem>>) target_semaphore(%arg15 : memref<!tpu.dma_semaphore, #tpu.memory_space<semaphore_mem>>)
          %add3A_342 = arith.constant 3 : i32
          %add3A_343 = arith.addi %add3A_290, %add3A_342 : i32
          %add3A_344 = arith.addi %select_n3A_11, %add3A_343 : i32
          %dma_start3A_345 = arith.constant 0 : i32
          %dma_start3A_346 = arith.constant 0 : i32
          %dma_start3A_347 = tpu.memref_slice %arg3[%add3A_344, %dma_start3A_345, %dma_start3A_346] : memref<2500x128x128xf32, #tpu.memory_space<hbm>> -> memref<1x128x128xf32, #tpu.memory_space<hbm>>
          %dma_start3A_348 = tpu.memref_squeeze %dma_start3A_347 : memref<1x128x128xf32, #tpu.memory_space<hbm>> -> memref<128x128xf32, #tpu.memory_space<hbm>>
          %dma_start3A_349 = arith.constant 0 : i32
          %dma_start3A_350 = arith.constant 0 : i32
          %dma_start3A_351 = tpu.memref_slice %arg3[%add3A_344, %dma_start3A_349, %dma_start3A_350] : memref<2500x128x128xf32, #tpu.memory_space<hbm>> -> memref<1x128x128xf32, #tpu.memory_space<hbm>>
          %dma_start3A_352 = tpu.memref_squeeze %dma_start3A_351 : memref<1x128x128xf32, #tpu.memory_space<hbm>> -> memref<128x128xf32, #tpu.memory_space<hbm>>
          tpu.enqueue_dma source(%dma_start3A_352 : memref<128x128xf32, #tpu.memory_space<hbm>>) target(%arg11 : memref<128x128xf32, #tpu.memory_space<vmem>>) target_semaphore(%arg18 : memref<!tpu.dma_semaphore, #tpu.memory_space<semaphore_mem>>)
        } else {
        }
      } else {
      }
    }
    %scan3A_103 = arith.constant 27 : i32
    %add3A_104 = arith.constant 0 : i32
    %add3A_105 = arith.addi %select_n3A_11, %add3A_104 : i32
    %mul3A_106 = arith.constant 128 : i32
    %mul3A_107 = arith.muli %add3A_105, %mul3A_106 : i32
    %dma_start3A_108 = arith.constant 0 : i32
    %dma_start3A_109 = arith.constant 0 : i32
    %dma_start3A_110 = arith.constant 0 : i32
    %dma_start3A_111 = tpu.memref_slice %arg6[%dma_start3A_109, %dma_start3A_110] : memref<2x128xi32, #tpu.memory_space<vmem>> -> memref<1x128xi32, #tpu.memory_space<vmem>>
    %dma_start3A_112 = tpu.memref_squeeze %dma_start3A_111 : memref<1x128xi32, #tpu.memory_space<vmem>> -> memref<128xi32, #tpu.memory_space<vmem>>
    %dma_start3A_113 = tpu.memref_slice %arg2[%dma_start3A_108, %mul3A_107] : memref<2x320000xi32, #tpu.memory_space<hbm>> -> memref<1x128xi32, #tpu.memory_space<hbm>>
    %dma_start3A_114 = tpu.memref_squeeze %dma_start3A_113 : memref<1x128xi32, #tpu.memory_space<hbm>> -> memref<128xi32, #tpu.memory_space<hbm>>
    %dma_start3A_115 = arith.constant 0 : i32
    %dma_start3A_116 = tpu.memref_slice %arg6[%dma_start3A_109, %dma_start3A_115] : memref<2x128xi32, #tpu.memory_space<vmem>> -> memref<1x128xi32, #tpu.memory_space<vmem>>
    %dma_start3A_117 = tpu.memref_squeeze %dma_start3A_116 : memref<1x128xi32, #tpu.memory_space<vmem>> -> memref<128xi32, #tpu.memory_space<vmem>>
    %dma_start3A_118 = tpu.memref_slice %arg2[%dma_start3A_108, %mul3A_107] : memref<2x320000xi32, #tpu.memory_space<hbm>> -> memref<1x128xi32, #tpu.memory_space<hbm>>
    %dma_start3A_119 = tpu.memref_squeeze %dma_start3A_118 : memref<1x128xi32, #tpu.memory_space<hbm>> -> memref<128xi32, #tpu.memory_space<hbm>>
    tpu.enqueue_dma source(%dma_start3A_119 : memref<128xi32, #tpu.memory_space<hbm>>) target(%dma_start3A_117 : memref<128xi32, #tpu.memory_space<vmem>>) target_semaphore(%arg13 : memref<!tpu.dma_semaphore, #tpu.memory_space<semaphore_mem>>)
    %dma_start3A_120 = arith.constant 1 : i32
    %dma_start3A_121 = arith.constant 1 : i32
    %dma_start3A_122 = arith.constant 0 : i32
    %dma_start3A_123 = tpu.memref_slice %arg6[%dma_start3A_121, %dma_start3A_122] : memref<2x128xi32, #tpu.memory_space<vmem>> -> memref<1x128xi32, #tpu.memory_space<vmem>>
    %dma_start3A_124 = tpu.memref_squeeze %dma_start3A_123 : memref<1x128xi32, #tpu.memory_space<vmem>> -> memref<128xi32, #tpu.memory_space<vmem>>
    %dma_start3A_125 = tpu.memref_slice %arg2[%dma_start3A_120, %mul3A_107] : memref<2x320000xi32, #tpu.memory_space<hbm>> -> memref<1x128xi32, #tpu.memory_space<hbm>>
    %dma_start3A_126 = tpu.memref_squeeze %dma_start3A_125 : memref<1x128xi32, #tpu.memory_space<hbm>> -> memref<128xi32, #tpu.memory_space<hbm>>
    %dma_start3A_127 = arith.constant 0 : i32
    %dma_start3A_128 = tpu.memref_slice %arg6[%dma_start3A_121, %dma_start3A_127] : memref<2x128xi32, #tpu.memory_space<vmem>> -> memref<1x128xi32, #tpu.memory_space<vmem>>
    %dma_start3A_129 = tpu.memref_squeeze %dma_start3A_128 : memref<1x128xi32, #tpu.memory_space<vmem>> -> memref<128xi32, #tpu.memory_space<vmem>>
    %dma_start3A_130 = tpu.memref_slice %arg2[%dma_start3A_120, %mul3A_107] : memref<2x320000xi32, #tpu.memory_space<hbm>> -> memref<1x128xi32, #tpu.memory_space<hbm>>
    %dma_start3A_131 = tpu.memref_squeeze %dma_start3A_130 : memref<1x128xi32, #tpu.memory_space<hbm>> -> memref<128xi32, #tpu.memory_space<hbm>>
    tpu.enqueue_dma source(%dma_start3A_131 : memref<128xi32, #tpu.memory_space<hbm>>) target(%dma_start3A_129 : memref<128xi32, #tpu.memory_space<vmem>>) target_semaphore(%arg13 : memref<!tpu.dma_semaphore, #tpu.memory_space<semaphore_mem>>)
    %add3A_132 = arith.constant 1 : i32
    %add3A_133 = arith.addi %select_n3A_11, %add3A_132 : i32
    %mul3A_134 = arith.constant 128 : i32
    %mul3A_135 = arith.muli %add3A_133, %mul3A_134 : i32
    %dma_start3A_136 = arith.constant 0 : i32
    %dma_start3A_137 = arith.constant 0 : i32
    %dma_start3A_138 = arith.constant 0 : i32
    %dma_start3A_139 = tpu.memref_slice %arg7[%dma_start3A_137, %dma_start3A_138] : memref<2x128xi32, #tpu.memory_space<vmem>> -> memref<1x128xi32, #tpu.memory_space<vmem>>
    %dma_start3A_140 = tpu.memref_squeeze %dma_start3A_139 : memref<1x128xi32, #tpu.memory_space<vmem>> -> memref<128xi32, #tpu.memory_space<vmem>>
    %dma_start3A_141 = tpu.memref_slice %arg2[%dma_start3A_136, %mul3A_135] : memref<2x320000xi32, #tpu.memory_space<hbm>> -> memref<1x128xi32, #tpu.memory_space<hbm>>
    %dma_start3A_142 = tpu.memref_squeeze %dma_start3A_141 : memref<1x128xi32, #tpu.memory_space<hbm>> -> memref<128xi32, #tpu.memory_space<hbm>>
    %dma_start3A_143 = arith.constant 0 : i32
    %dma_start3A_144 = tpu.memref_slice %arg7[%dma_start3A_137, %dma_start3A_143] : memref<2x128xi32, #tpu.memory_space<vmem>> -> memref<1x128xi32, #tpu.memory_space<vmem>>
    %dma_start3A_145 = tpu.memref_squeeze %dma_start3A_144 : memref<1x128xi32, #tpu.memory_space<vmem>> -> memref<128xi32, #tpu.memory_space<vmem>>
    %dma_start3A_146 = tpu.memref_slice %arg2[%dma_start3A_136, %mul3A_135] : memref<2x320000xi32, #tpu.memory_space<hbm>> -> memref<1x128xi32, #tpu.memory_space<hbm>>
    %dma_start3A_147 = tpu.memref_squeeze %dma_start3A_146 : memref<1x128xi32, #tpu.memory_space<hbm>> -> memref<128xi32, #tpu.memory_space<hbm>>
    tpu.enqueue_dma source(%dma_start3A_147 : memref<128xi32, #tpu.memory_space<hbm>>) target(%dma_start3A_145 : memref<128xi32, #tpu.memory_space<vmem>>) target_semaphore(%arg14 : memref<!tpu.dma_semaphore, #tpu.memory_space<semaphore_mem>>)
    %dma_start3A_148 = arith.constant 1 : i32
    %dma_start3A_149 = arith.constant 1 : i32
    %dma_start3A_150 = arith.constant 0 : i32
    %dma_start3A_151 = tpu.memref_slice %arg7[%dma_start3A_149, %dma_start3A_150] : memref<2x128xi32, #tpu.memory_space<vmem>> -> memref<1x128xi32, #tpu.memory_space<vmem>>
    %dma_start3A_152 = tpu.memref_squeeze %dma_start3A_151 : memref<1x128xi32, #tpu.memory_space<vmem>> -> memref<128xi32, #tpu.memory_space<vmem>>
    %dma_start3A_153 = tpu.memref_slice %arg2[%dma_start3A_148, %mul3A_135] : memref<2x320000xi32, #tpu.memory_space<hbm>> -> memref<1x128xi32, #tpu.memory_space<hbm>>
    %dma_start3A_154 = tpu.memref_squeeze %dma_start3A_153 : memref<1x128xi32, #tpu.memory_space<hbm>> -> memref<128xi32, #tpu.memory_space<hbm>>
    %dma_start3A_155 = arith.constant 0 : i32
    %dma_start3A_156 = tpu.memref_slice %arg7[%dma_start3A_149, %dma_start3A_155] : memref<2x128xi32, #tpu.memory_space<vmem>> -> memref<1x128xi32, #tpu.memory_space<vmem>>
    %dma_start3A_157 = tpu.memref_squeeze %dma_start3A_156 : memref<1x128xi32, #tpu.memory_space<vmem>> -> memref<128xi32, #tpu.memory_space<vmem>>
    %dma_start3A_158 = tpu.memref_slice %arg2[%dma_start3A_148, %mul3A_135] : memref<2x320000xi32, #tpu.memory_space<hbm>> -> memref<1x128xi32, #tpu.memory_space<hbm>>
    %dma_start3A_159 = tpu.memref_squeeze %dma_start3A_158 : memref<1x128xi32, #tpu.memory_space<hbm>> -> memref<128xi32, #tpu.memory_space<hbm>>
    tpu.enqueue_dma source(%dma_start3A_159 : memref<128xi32, #tpu.memory_space<hbm>>) target(%dma_start3A_157 : memref<128xi32, #tpu.memory_space<vmem>>) target_semaphore(%arg14 : memref<!tpu.dma_semaphore, #tpu.memory_space<semaphore_mem>>)
    %add3A_160 = arith.constant 2 : i32
    %add3A_161 = arith.addi %select_n3A_11, %add3A_160 : i32
    %mul3A_162 = arith.constant 128 : i32
    %mul3A_163 = arith.muli %add3A_161, %mul3A_162 : i32
    %dma_start3A_164 = arith.constant 0 : i32
    %dma_start3A_165 = arith.constant 0 : i32
    %dma_start3A_166 = arith.constant 0 : i32
    %dma_start3A_167 = tpu.memref_slice %arg8[%dma_start3A_165, %dma_start3A_166] : memref<2x128xi32, #tpu.memory_space<vmem>> -> memref<1x128xi32, #tpu.memory_space<vmem>>
    %dma_start3A_168 = tpu.memref_squeeze %dma_start3A_167 : memref<1x128xi32, #tpu.memory_space<vmem>> -> memref<128xi32, #tpu.memory_space<vmem>>
    %dma_start3A_169 = tpu.memref_slice %arg2[%dma_start3A_164, %mul3A_163] : memref<2x320000xi32, #tpu.memory_space<hbm>> -> memref<1x128xi32, #tpu.memory_space<hbm>>
    %dma_start3A_170 = tpu.memref_squeeze %dma_start3A_169 : memref<1x128xi32, #tpu.memory_space<hbm>> -> memref<128xi32, #tpu.memory_space<hbm>>
    %dma_start3A_171 = arith.constant 0 : i32
    %dma_start3A_172 = tpu.memref_slice %arg8[%dma_start3A_165, %dma_start3A_171] : memref<2x128xi32, #tpu.memory_space<vmem>> -> memref<1x128xi32, #tpu.memory_space<vmem>>
    %dma_start3A_173 = tpu.memref_squeeze %dma_start3A_172 : memref<1x128xi32, #tpu.memory_space<vmem>> -> memref<128xi32, #tpu.memory_space<vmem>>
    %dma_start3A_174 = tpu.memref_slice %arg2[%dma_start3A_164, %mul3A_163] : memref<2x320000xi32, #tpu.memory_space<hbm>> -> memref<1x128xi32, #tpu.memory_space<hbm>>
    %dma_start3A_175 = tpu.memref_squeeze %dma_start3A_174 : memref<1x128xi32, #tpu.memory_space<hbm>> -> memref<128xi32, #tpu.memory_space<hbm>>
    tpu.enqueue_dma source(%dma_start3A_175 : memref<128xi32, #tpu.memory_space<hbm>>) target(%dma_start3A_173 : memref<128xi32, #tpu.memory_space<vmem>>) target_semaphore(%arg15 : memref<!tpu.dma_semaphore, #tpu.memory_space<semaphore_mem>>)
    %dma_start3A_176 = arith.constant 1 : i32
    %dma_start3A_177 = arith.constant 1 : i32
    %dma_start3A_178 = arith.constant 0 : i32
    %dma_start3A_179 = tpu.memref_slice %arg8[%dma_start3A_177, %dma_start3A_178] : memref<2x128xi32, #tpu.memory_space<vmem>> -> memref<1x128xi32, #tpu.memory_space<vmem>>
    %dma_start3A_180 = tpu.memref_squeeze %dma_start3A_179 : memref<1x128xi32, #tpu.memory_space<vmem>> -> memref<128xi32, #tpu.memory_space<vmem>>
    %dma_start3A_181 = tpu.memref_slice %arg2[%dma_start3A_176, %mul3A_163] : memref<2x320000xi32, #tpu.memory_space<hbm>> -> memref<1x128xi32, #tpu.memory_space<hbm>>
    %dma_start3A_182 = tpu.memref_squeeze %dma_start3A_181 : memref<1x128xi32, #tpu.memory_space<hbm>> -> memref<128xi32, #tpu.memory_space<hbm>>
    %dma_start3A_183 = arith.constant 0 : i32
    %dma_start3A_184 = tpu.memref_slice %arg8[%dma_start3A_177, %dma_start3A_183] : memref<2x128xi32, #tpu.memory_space<vmem>> -> memref<1x128xi32, #tpu.memory_space<vmem>>
    %dma_start3A_185 = tpu.memref_squeeze %dma_start3A_184 : memref<1x128xi32, #tpu.memory_space<vmem>> -> memref<128xi32, #tpu.memory_space<vmem>>
    %dma_start3A_186 = tpu.memref_slice %arg2[%dma_start3A_176, %mul3A_163] : memref<2x320000xi32, #tpu.memory_space<hbm>> -> memref<1x128xi32, #tpu.memory_space<hbm>>
    %dma_start3A_187 = tpu.memref_squeeze %dma_start3A_186 : memref<1x128xi32, #tpu.memory_space<hbm>> -> memref<128xi32, #tpu.memory_space<hbm>>
    tpu.enqueue_dma source(%dma_start3A_187 : memref<128xi32, #tpu.memory_space<hbm>>) target(%dma_start3A_185 : memref<128xi32, #tpu.memory_space<vmem>>) target_semaphore(%arg15 : memref<!tpu.dma_semaphore, #tpu.memory_space<semaphore_mem>>)
    %add3A_188 = arith.constant 0 : i32
    %add3A_189 = arith.addi %select_n3A_11, %add3A_188 : i32
    %mul3A_190 = arith.constant 128 : i32
    %mul3A_191 = arith.muli %add3A_189, %mul3A_190 : i32
    %dma_wait3A = arith.constant 0 : i32
    %dma_wait3A_192 = arith.constant 0 : i32
    %dma_wait3A_193 = arith.constant 0 : i32
    %dma_wait3A_194 = tpu.memref_slice %arg6[%dma_wait3A_192, %dma_wait3A_193] : memref<2x128xi32, #tpu.memory_space<vmem>> -> memref<1x128xi32, #tpu.memory_space<vmem>>
    %dma_wait3A_195 = tpu.memref_squeeze %dma_wait3A_194 : memref<1x128xi32, #tpu.memory_space<vmem>> -> memref<128xi32, #tpu.memory_space<vmem>>
    %dma_wait3A_196 = tpu.memref_slice %arg2[%dma_wait3A, %mul3A_191] : memref<2x320000xi32, #tpu.memory_space<hbm>> -> memref<1x128xi32, #tpu.memory_space<hbm>>
    %dma_wait3A_197 = tpu.memref_squeeze %dma_wait3A_196 : memref<1x128xi32, #tpu.memory_space<hbm>> -> memref<128xi32, #tpu.memory_space<hbm>>
    %dma_wait3A_198 = arith.constant 0 : i32
    %dma_wait3A_199 = tpu.memref_slice %arg6[%dma_wait3A_192, %dma_wait3A_198] : memref<2x128xi32, #tpu.memory_space<vmem>> -> memref<1x128xi32, #tpu.memory_space<vmem>>
    %dma_wait3A_200 = tpu.memref_squeeze %dma_wait3A_199 : memref<1x128xi32, #tpu.memory_space<vmem>> -> memref<128xi32, #tpu.memory_space<vmem>>
    %dma_wait3A_201 = tpu.memref_slice %arg2[%dma_wait3A, %mul3A_191] : memref<2x320000xi32, #tpu.memory_space<hbm>> -> memref<1x128xi32, #tpu.memory_space<hbm>>
    %dma_wait3A_202 = tpu.memref_squeeze %dma_wait3A_201 : memref<1x128xi32, #tpu.memory_space<hbm>> -> memref<128xi32, #tpu.memory_space<hbm>>
    tpu.wait_dma2 semaphore(%arg13 : memref<!tpu.dma_semaphore, #tpu.memory_space<semaphore_mem>>) src(%dma_wait3A_202 : memref<128xi32, #tpu.memory_space<hbm>>) dst(%dma_wait3A_200 : memref<128xi32, #tpu.memory_space<vmem>>)
    %dma_wait3A_203 = arith.constant 1 : i32
    %dma_wait3A_204 = arith.constant 1 : i32
    %dma_wait3A_205 = arith.constant 0 : i32
    %dma_wait3A_206 = tpu.memref_slice %arg6[%dma_wait3A_204, %dma_wait3A_205] : memref<2x128xi32, #tpu.memory_space<vmem>> -> memref<1x128xi32, #tpu.memory_space<vmem>>
    %dma_wait3A_207 = tpu.memref_squeeze %dma_wait3A_206 : memref<1x128xi32, #tpu.memory_space<vmem>> -> memref<128xi32, #tpu.memory_space<vmem>>
    %dma_wait3A_208 = tpu.memref_slice %arg2[%dma_wait3A_203, %mul3A_191] : memref<2x320000xi32, #tpu.memory_space<hbm>> -> memref<1x128xi32, #tpu.memory_space<hbm>>
    %dma_wait3A_209 = tpu.memref_squeeze %dma_wait3A_208 : memref<1x128xi32, #tpu.memory_space<hbm>> -> memref<128xi32, #tpu.memory_space<hbm>>
    %dma_wait3A_210 = arith.constant 0 : i32
    %dma_wait3A_211 = tpu.memref_slice %arg6[%dma_wait3A_204, %dma_wait3A_210] : memref<2x128xi32, #tpu.memory_space<vmem>> -> memref<1x128xi32, #tpu.memory_space<vmem>>
    %dma_wait3A_212 = tpu.memref_squeeze %dma_wait3A_211 : memref<1x128xi32, #tpu.memory_space<vmem>> -> memref<128xi32, #tpu.memory_space<vmem>>
    %dma_wait3A_213 = tpu.memref_slice %arg2[%dma_wait3A_203, %mul3A_191] : memref<2x320000xi32, #tpu.memory_space<hbm>> -> memref<1x128xi32, #tpu.memory_space<hbm>>
    %dma_wait3A_214 = tpu.memref_squeeze %dma_wait3A_213 : memref<1x128xi32, #tpu.memory_space<hbm>> -> memref<128xi32, #tpu.memory_space<hbm>>
    tpu.wait_dma2 semaphore(%arg13 : memref<!tpu.dma_semaphore, #tpu.memory_space<semaphore_mem>>) src(%dma_wait3A_214 : memref<128xi32, #tpu.memory_space<hbm>>) dst(%dma_wait3A_212 : memref<128xi32, #tpu.memory_space<vmem>>)
    %dma_start3A_215 = arith.constant 0 : i32
    %dma_start3A_216 = arith.constant 0 : i32
    %dma_start3A_217 = tpu.memref_slice %arg6[%dma_start3A_215, %dma_start3A_216] : memref<2x128xi32, #tpu.memory_space<vmem>> -> memref<1x128xi32, #tpu.memory_space<vmem>>
    %dma_start3A_218 = tpu.memref_squeeze %dma_start3A_217 : memref<1x128xi32, #tpu.memory_space<vmem>> -> memref<128xi32, #tpu.memory_space<vmem>>
    %dma_start3A_219 = arith.constant 0 : i32
    %dma_start3A_220 = arith.constant 0 : i32
    %dma_start3A_221 = tpu.memref_slice %arg4[%dma_start3A_219, %dma_start3A_220] : memref<10000x128xf32, #tpu.memory_space<hbm>> -> memref<10000x128xf32, #tpu.memory_space<hbm>>
    tpu.enqueue_indirect_dma source(%dma_start3A_221 : memref<10000x128xf32, #tpu.memory_space<hbm>>) target(%arg9 : memref<128x128xf32, #tpu.memory_space<vmem>>) offsets(%dma_start3A_218 : memref<128xi32, #tpu.memory_space<vmem>>) semaphore(%arg16 : memref<!tpu.dma_semaphore, #tpu.memory_space<semaphore_mem>>)
    %add3A_222 = arith.constant 1 : i32
    %add3A_223 = arith.addi %select_n3A_11, %add3A_222 : i32
    %mul3A_224 = arith.constant 128 : i32
    %mul3A_225 = arith.muli %add3A_223, %mul3A_224 : i32
    %dma_wait3A_226 = arith.constant 0 : i32
    %dma_wait3A_227 = arith.constant 0 : i32
    %dma_wait3A_228 = arith.constant 0 : i32
    %dma_wait3A_229 = tpu.memref_slice %arg7[%dma_wait3A_227, %dma_wait3A_228] : memref<2x128xi32, #tpu.memory_space<vmem>> -> memref<1x128xi32, #tpu.memory_space<vmem>>
    %dma_wait3A_230 = tpu.memref_squeeze %dma_wait3A_229 : memref<1x128xi32, #tpu.memory_space<vmem>> -> memref<128xi32, #tpu.memory_space<vmem>>
    %dma_wait3A_231 = tpu.memref_slice %arg2[%dma_wait3A_226, %mul3A_225] : memref<2x320000xi32, #tpu.memory_space<hbm>> -> memref<1x128xi32, #tpu.memory_space<hbm>>
    %dma_wait3A_232 = tpu.memref_squeeze %dma_wait3A_231 : memref<1x128xi32, #tpu.memory_space<hbm>> -> memref<128xi32, #tpu.memory_space<hbm>>
    %dma_wait3A_233 = arith.constant 0 : i32
    %dma_wait3A_234 = tpu.memref_slice %arg7[%dma_wait3A_227, %dma_wait3A_233] : memref<2x128xi32, #tpu.memory_space<vmem>> -> memref<1x128xi32, #tpu.memory_space<vmem>>
    %dma_wait3A_235 = tpu.memref_squeeze %dma_wait3A_234 : memref<1x128xi32, #tpu.memory_space<vmem>> -> memref<128xi32, #tpu.memory_space<vmem>>
    %dma_wait3A_236 = tpu.memref_slice %arg2[%dma_wait3A_226, %mul3A_225] : memref<2x320000xi32, #tpu.memory_space<hbm>> -> memref<1x128xi32, #tpu.memory_space<hbm>>
    %dma_wait3A_237 = tpu.memref_squeeze %dma_wait3A_236 : memref<1x128xi32, #tpu.memory_space<hbm>> -> memref<128xi32, #tpu.memory_space<hbm>>
    tpu.wait_dma2 semaphore(%arg14 : memref<!tpu.dma_semaphore, #tpu.memory_space<semaphore_mem>>) src(%dma_wait3A_237 : memref<128xi32, #tpu.memory_space<hbm>>) dst(%dma_wait3A_235 : memref<128xi32, #tpu.memory_space<vmem>>)
    %dma_wait3A_238 = arith.constant 1 : i32
    %dma_wait3A_239 = arith.constant 1 : i32
    %dma_wait3A_240 = arith.constant 0 : i32
    %dma_wait3A_241 = tpu.memref_slice %arg7[%dma_wait3A_239, %dma_wait3A_240] : memref<2x128xi32, #tpu.memory_space<vmem>> -> memref<1x128xi32, #tpu.memory_space<vmem>>
    %dma_wait3A_242 = tpu.memref_squeeze %dma_wait3A_241 : memref<1x128xi32, #tpu.memory_space<vmem>> -> memref<128xi32, #tpu.memory_space<vmem>>
    %dma_wait3A_243 = tpu.memref_slice %arg2[%dma_wait3A_238, %mul3A_225] : memref<2x320000xi32, #tpu.memory_space<hbm>> -> memref<1x128xi32, #tpu.memory_space<hbm>>
    %dma_wait3A_244 = tpu.memref_squeeze %dma_wait3A_243 : memref<1x128xi32, #tpu.memory_space<hbm>> -> memref<128xi32, #tpu.memory_space<hbm>>
    %dma_wait3A_245 = arith.constant 0 : i32
    %dma_wait3A_246 = tpu.memref_slice %arg7[%dma_wait3A_239, %dma_wait3A_245] : memref<2x128xi32, #tpu.memory_space<vmem>> -> memref<1x128xi32, #tpu.memory_space<vmem>>
    %dma_wait3A_247 = tpu.memref_squeeze %dma_wait3A_246 : memref<1x128xi32, #tpu.memory_space<vmem>> -> memref<128xi32, #tpu.memory_space<vmem>>
    %dma_wait3A_248 = tpu.memref_slice %arg2[%dma_wait3A_238, %mul3A_225] : memref<2x320000xi32, #tpu.memory_space<hbm>> -> memref<1x128xi32, #tpu.memory_space<hbm>>
    %dma_wait3A_249 = tpu.memref_squeeze %dma_wait3A_248 : memref<1x128xi32, #tpu.memory_space<hbm>> -> memref<128xi32, #tpu.memory_space<hbm>>
    tpu.wait_dma2 semaphore(%arg14 : memref<!tpu.dma_semaphore, #tpu.memory_space<semaphore_mem>>) src(%dma_wait3A_249 : memref<128xi32, #tpu.memory_space<hbm>>) dst(%dma_wait3A_247 : memref<128xi32, #tpu.memory_space<vmem>>)
    %dma_start3A_250 = arith.constant 0 : i32
    %dma_start3A_251 = arith.constant 0 : i32
    %dma_start3A_252 = tpu.memref_slice %arg7[%dma_start3A_250, %dma_start3A_251] : memref<2x128xi32, #tpu.memory_space<vmem>> -> memref<1x128xi32, #tpu.memory_space<vmem>>
    %dma_start3A_253 = tpu.memref_squeeze %dma_start3A_252 : memref<1x128xi32, #tpu.memory_space<vmem>> -> memref<128xi32, #tpu.memory_space<vmem>>
    %dma_start3A_254 = arith.constant 0 : i32
    %dma_start3A_255 = arith.constant 0 : i32
    %dma_start3A_256 = tpu.memref_slice %arg4[%dma_start3A_254, %dma_start3A_255] : memref<10000x128xf32, #tpu.memory_space<hbm>> -> memref<10000x128xf32, #tpu.memory_space<hbm>>
    tpu.enqueue_indirect_dma source(%dma_start3A_256 : memref<10000x128xf32, #tpu.memory_space<hbm>>) target(%arg10 : memref<128x128xf32, #tpu.memory_space<vmem>>) offsets(%dma_start3A_253 : memref<128xi32, #tpu.memory_space<vmem>>) semaphore(%arg17 : memref<!tpu.dma_semaphore, #tpu.memory_space<semaphore_mem>>)
    %scan3A_257 = arith.constant 0 : i32
    %scan3A_258 = arith.constant 27 : i32
    %scan3A_259 = arith.addi %scan3A_257, %scan3A_258 : i32
    %scan3A_260 = arith.constant 1 : i32
    scf.for %scan3A_268 = %scan3A_257 to %scan3A_259 step %scan3A_260  : i32 {
      %mul3A_269 = arith.constant 1 : i32
      %mul3A_270 = arith.muli %scan3A_268, %mul3A_269 : i32
      %add3A_271 = arith.constant 0 : i32
      %add3A_272 = arith.addi %add3A_271, %mul3A_270 : i32
      %mul3A_273 = arith.constant 3 : i32
      %mul3A_274 = arith.muli %mul3A_273, %add3A_272 : i32
      %add3A_275 = arith.constant 0 : i32
      %add3A_276 = arith.addi %mul3A_274, %add3A_275 : i32
      %lt3A_277 = arith.cmpi slt, %add3A_276, %select_n3A : i32
      %convert_element_type3A = arith.extui %lt3A_277 : i1 to i32
      %cond3A = arith.constant 0 : i32
      %cond3A_278 = arith.cmpi ne, %convert_element_type3A, %cond3A : i32
      scf.if %cond3A_278 {
        %dma_wait3A_295 = arith.constant 0 : i32
        %dma_wait3A_296 = arith.constant 0 : i32
        %dma_wait3A_297 = tpu.memref_slice %arg6[%dma_wait3A_295, %dma_wait3A_296] : memref<2x128xi32, #tpu.memory_space<vmem>> -> memref<1x128xi32, #tpu.memory_space<vmem>>
        %dma_wait3A_298 = tpu.memref_squeeze %dma_wait3A_297 : memref<1x128xi32, #tpu.memory_space<vmem>> -> memref<128xi32, #tpu.memory_space<vmem>>
        %dma_wait3A_299 = arith.constant 0 : i32
        %dma_wait3A_300 = arith.constant 0 : i32
        %dma_wait3A_301 = tpu.memref_slice %arg4[%dma_wait3A_299, %dma_wait3A_300] : memref<10000x128xf32, #tpu.memory_space<hbm>> -> memref<10000x128xf32, #tpu.memory_space<hbm>>
        tpu.wait_indirect_dma semaphore(%arg16 : memref<!tpu.dma_semaphore, #tpu.memory_space<semaphore_mem>>) src(%dma_wait3A_301 : memref<10000x128xf32, #tpu.memory_space<hbm>>) dst(%arg9 : memref<128x128xf32, #tpu.memory_space<vmem>>)
        %run_scoped3A = arith.constant 1 : i32
        "tpu.region"() ({
          %run_scoped3A_314 = tpu.sem_alloc : memref<!tpu.dma_semaphore, #tpu.memory_space<semaphore_mem>>
          %dma_start3A_315 = arith.constant 0 : i32
          %dma_start3A_316 = tpu.memref_slice %arg6[%run_scoped3A, %dma_start3A_315] : memref<2x128xi32, #tpu.memory_space<vmem>> -> memref<1x128xi32, #tpu.memory_space<vmem>>
          %dma_start3A_317 = tpu.memref_squeeze %dma_start3A_316 : memref<1x128xi32, #tpu.memory_space<vmem>> -> memref<128xi32, #tpu.memory_space<vmem>>
          %dma_start3A_318 = arith.constant 0 : i32
          %dma_start3A_319 = arith.constant 0 : i32
          %dma_start3A_320 = tpu.memref_slice %arg12[%dma_start3A_318, %dma_start3A_319] : memref<10000x128xf32, #tpu.memory_space<vmem_shared>> -> memref<10000x128xf32, #tpu.memory_space<vmem_shared>>
          tpu.enqueue_indirect_dma source(%arg9 : memref<128x128xf32, #tpu.memory_space<vmem>>) target(%dma_start3A_320 : memref<10000x128xf32, #tpu.memory_space<vmem_shared>>) offsets(%dma_start3A_317 : memref<128xi32, #tpu.memory_space<vmem>>) semaphore(%run_scoped3A_314 : memref<!tpu.dma_semaphore, #tpu.memory_space<semaphore_mem>>) {add = true}
          %dma_wait3A_321 = arith.constant 0 : i32
          %dma_wait3A_322 = tpu.memref_slice %arg6[%run_scoped3A, %dma_wait3A_321] : memref<2x128xi32, #tpu.memory_space<vmem>> -> memref<1x128xi32, #tpu.memory_space<vmem>>
          %dma_wait3A_323 = tpu.memref_squeeze %dma_wait3A_322 : memref<1x128xi32, #tpu.memory_space<vmem>> -> memref<128xi32, #tpu.memory_space<vmem>>
          %dma_wait3A_324 = arith.constant 0 : i32
          %dma_wait3A_325 = arith.constant 0 : i32
          %dma_wait3A_326 = tpu.memref_slice %arg12[%dma_wait3A_324, %dma_wait3A_325] : memref<10000x128xf32, #tpu.memory_space<vmem_shared>> -> memref<10000x128xf32, #tpu.memory_space<vmem_shared>>
          tpu.wait_indirect_dma semaphore(%run_scoped3A_314 : memref<!tpu.dma_semaphore, #tpu.memory_space<semaphore_mem>>) src(%arg9 : memref<128x128xf32, #tpu.memory_space<vmem>>) dst(%dma_wait3A_326 : memref<10000x128xf32, #tpu.memory_space<vmem_shared>>)
          tpu.yield
        }) : () -> ()
        %add3A_302 = arith.constant 3 : i32
        %add3A_303 = arith.addi %add3A_276, %add3A_302 : i32
        %lt3A_304 = arith.cmpi slt, %add3A_303, %select_n3A : i32
        %convert_element_type3A_305 = arith.extui %lt3A_304 : i1 to i32
        %cond3A_306 = arith.constant 0 : i32
        %cond3A_307 = arith.cmpi ne, %convert_element_type3A_305, %cond3A_306 : i32
        scf.if %cond3A_307 {
          %add3A_314 = arith.constant 3 : i32
          %add3A_315 = arith.addi %add3A_276, %add3A_314 : i32
          %add3A_316 = arith.addi %select_n3A_11, %add3A_315 : i32
          %mul3A_317 = arith.constant 128 : i32
          %mul3A_318 = arith.muli %add3A_316, %mul3A_317 : i32
          %dma_start3A_319 = arith.constant 0 : i32
          %dma_start3A_320 = arith.constant 0 : i32
          %dma_start3A_321 = arith.constant 0 : i32
          %dma_start3A_322 = tpu.memref_slice %arg6[%dma_start3A_320, %dma_start3A_321] : memref<2x128xi32, #tpu.memory_space<vmem>> -> memref<1x128xi32, #tpu.memory_space<vmem>>
          %dma_start3A_323 = tpu.memref_squeeze %dma_start3A_322 : memref<1x128xi32, #tpu.memory_space<vmem>> -> memref<128xi32, #tpu.memory_space<vmem>>
          %dma_start3A_324 = tpu.memref_slice %arg2[%dma_start3A_319, %mul3A_318] : memref<2x320000xi32, #tpu.memory_space<hbm>> -> memref<1x128xi32, #tpu.memory_space<hbm>>
          %dma_start3A_325 = tpu.memref_squeeze %dma_start3A_324 : memref<1x128xi32, #tpu.memory_space<hbm>> -> memref<128xi32, #tpu.memory_space<hbm>>
          %dma_start3A_326 = arith.constant 0 : i32
          %dma_start3A_327 = tpu.memref_slice %arg6[%dma_start3A_320, %dma_start3A_326] : memref<2x128xi32, #tpu.memory_space<vmem>> -> memref<1x128xi32, #tpu.memory_space<vmem>>
          %dma_start3A_328 = tpu.memref_squeeze %dma_start3A_327 : memref<1x128xi32, #tpu.memory_space<vmem>> -> memref<128xi32, #tpu.memory_space<vmem>>
          %dma_start3A_329 = tpu.memref_slice %arg2[%dma_start3A_319, %mul3A_318] : memref<2x320000xi32, #tpu.memory_space<hbm>> -> memref<1x128xi32, #tpu.memory_space<hbm>>
          %dma_start3A_330 = tpu.memref_squeeze %dma_start3A_329 : memref<1x128xi32, #tpu.memory_space<hbm>> -> memref<128xi32, #tpu.memory_space<hbm>>
          tpu.enqueue_dma source(%dma_start3A_330 : memref<128xi32, #tpu.memory_space<hbm>>) target(%dma_start3A_328 : memref<128xi32, #tpu.memory_space<vmem>>) target_semaphore(%arg13 : memref<!tpu.dma_semaphore, #tpu.memory_space<semaphore_mem>>)
          %dma_start3A_331 = arith.constant 1 : i32
          %dma_start3A_332 = arith.constant 1 : i32
          %dma_start3A_333 = arith.constant 0 : i32
          %dma_start3A_334 = tpu.memref_slice %arg6[%dma_start3A_332, %dma_start3A_333] : memref<2x128xi32, #tpu.memory_space<vmem>> -> memref<1x128xi32, #tpu.memory_space<vmem>>
          %dma_start3A_335 = tpu.memref_squeeze %dma_start3A_334 : memref<1x128xi32, #tpu.memory_space<vmem>> -> memref<128xi32, #tpu.memory_space<vmem>>
          %dma_start3A_336 = tpu.memref_slice %arg2[%dma_start3A_331, %mul3A_318] : memref<2x320000xi32, #tpu.memory_space<hbm>> -> memref<1x128xi32, #tpu.memory_space<hbm>>
          %dma_start3A_337 = tpu.memref_squeeze %dma_start3A_336 : memref<1x128xi32, #tpu.memory_space<hbm>> -> memref<128xi32, #tpu.memory_space<hbm>>
          %dma_start3A_338 = arith.constant 0 : i32
          %dma_start3A_339 = tpu.memref_slice %arg6[%dma_start3A_332, %dma_start3A_338] : memref<2x128xi32, #tpu.memory_space<vmem>> -> memref<1x128xi32, #tpu.memory_space<vmem>>
          %dma_start3A_340 = tpu.memref_squeeze %dma_start3A_339 : memref<1x128xi32, #tpu.memory_space<vmem>> -> memref<128xi32, #tpu.memory_space<vmem>>
          %dma_start3A_341 = tpu.memref_slice %arg2[%dma_start3A_331, %mul3A_318] : memref<2x320000xi32, #tpu.memory_space<hbm>> -> memref<1x128xi32, #tpu.memory_space<hbm>>
          %dma_start3A_342 = tpu.memref_squeeze %dma_start3A_341 : memref<1x128xi32, #tpu.memory_space<hbm>> -> memref<128xi32, #tpu.memory_space<hbm>>
          tpu.enqueue_dma source(%dma_start3A_342 : memref<128xi32, #tpu.memory_space<hbm>>) target(%dma_start3A_340 : memref<128xi32, #tpu.memory_space<vmem>>) target_semaphore(%arg13 : memref<!tpu.dma_semaphore, #tpu.memory_space<semaphore_mem>>)
        } else {
        }
        %add3A_308 = arith.constant 2 : i32
        %add3A_309 = arith.addi %add3A_276, %add3A_308 : i32
        %lt3A_310 = arith.cmpi slt, %add3A_309, %select_n3A : i32
        %convert_element_type3A_311 = arith.extui %lt3A_310 : i1 to i32
        %cond3A_312 = arith.constant 0 : i32
        %cond3A_313 = arith.cmpi ne, %convert_element_type3A_311, %cond3A_312 : i32
        scf.if %cond3A_313 {
          %add3A_314 = arith.constant 2 : i32
          %add3A_315 = arith.addi %add3A_276, %add3A_314 : i32
          %add3A_316 = arith.addi %select_n3A_11, %add3A_315 : i32
          %mul3A_317 = arith.constant 128 : i32
          %mul3A_318 = arith.muli %add3A_316, %mul3A_317 : i32
          %dma_wait3A_319 = arith.constant 0 : i32
          %dma_wait3A_320 = arith.constant 0 : i32
          %dma_wait3A_321 = arith.constant 0 : i32
          %dma_wait3A_322 = tpu.memref_slice %arg8[%dma_wait3A_320, %dma_wait3A_321] : memref<2x128xi32, #tpu.memory_space<vmem>> -> memref<1x128xi32, #tpu.memory_space<vmem>>
          %dma_wait3A_323 = tpu.memref_squeeze %dma_wait3A_322 : memref<1x128xi32, #tpu.memory_space<vmem>> -> memref<128xi32, #tpu.memory_space<vmem>>
          %dma_wait3A_324 = tpu.memref_slice %arg2[%dma_wait3A_319, %mul3A_318] : memref<2x320000xi32, #tpu.memory_space<hbm>> -> memref<1x128xi32, #tpu.memory_space<hbm>>
          %dma_wait3A_325 = tpu.memref_squeeze %dma_wait3A_324 : memref<1x128xi32, #tpu.memory_space<hbm>> -> memref<128xi32, #tpu.memory_space<hbm>>
          %dma_wait3A_326 = arith.constant 0 : i32
          %dma_wait3A_327 = tpu.memref_slice %arg8[%dma_wait3A_320, %dma_wait3A_326] : memref<2x128xi32, #tpu.memory_space<vmem>> -> memref<1x128xi32, #tpu.memory_space<vmem>>
          %dma_wait3A_328 = tpu.memref_squeeze %dma_wait3A_327 : memref<1x128xi32, #tpu.memory_space<vmem>> -> memref<128xi32, #tpu.memory_space<vmem>>
          %dma_wait3A_329 = tpu.memref_slice %arg2[%dma_wait3A_319, %mul3A_318] : memref<2x320000xi32, #tpu.memory_space<hbm>> -> memref<1x128xi32, #tpu.memory_space<hbm>>
          %dma_wait3A_330 = tpu.memref_squeeze %dma_wait3A_329 : memref<1x128xi32, #tpu.memory_space<hbm>> -> memref<128xi32, #tpu.memory_space<hbm>>
          tpu.wait_dma2 semaphore(%arg15 : memref<!tpu.dma_semaphore, #tpu.memory_space<semaphore_mem>>) src(%dma_wait3A_330 : memref<128xi32, #tpu.memory_space<hbm>>) dst(%dma_wait3A_328 : memref<128xi32, #tpu.memory_space<vmem>>)
          %dma_wait3A_331 = arith.constant 1 : i32
          %dma_wait3A_332 = arith.constant 1 : i32
          %dma_wait3A_333 = arith.constant 0 : i32
          %dma_wait3A_334 = tpu.memref_slice %arg8[%dma_wait3A_332, %dma_wait3A_333] : memref<2x128xi32, #tpu.memory_space<vmem>> -> memref<1x128xi32, #tpu.memory_space<vmem>>
          %dma_wait3A_335 = tpu.memref_squeeze %dma_wait3A_334 : memref<1x128xi32, #tpu.memory_space<vmem>> -> memref<128xi32, #tpu.memory_space<vmem>>
          %dma_wait3A_336 = tpu.memref_slice %arg2[%dma_wait3A_331, %mul3A_318] : memref<2x320000xi32, #tpu.memory_space<hbm>> -> memref<1x128xi32, #tpu.memory_space<hbm>>
          %dma_wait3A_337 = tpu.memref_squeeze %dma_wait3A_336 : memref<1x128xi32, #tpu.memory_space<hbm>> -> memref<128xi32, #tpu.memory_space<hbm>>
          %dma_wait3A_338 = arith.constant 0 : i32
          %dma_wait3A_339 = tpu.memref_slice %arg8[%dma_wait3A_332, %dma_wait3A_338] : memref<2x128xi32, #tpu.memory_space<vmem>> -> memref<1x128xi32, #tpu.memory_space<vmem>>
          %dma_wait3A_340 = tpu.memref_squeeze %dma_wait3A_339 : memref<1x128xi32, #tpu.memory_space<vmem>> -> memref<128xi32, #tpu.memory_space<vmem>>
          %dma_wait3A_341 = tpu.memref_slice %arg2[%dma_wait3A_331, %mul3A_318] : memref<2x320000xi32, #tpu.memory_space<hbm>> -> memref<1x128xi32, #tpu.memory_space<hbm>>
          %dma_wait3A_342 = tpu.memref_squeeze %dma_wait3A_341 : memref<1x128xi32, #tpu.memory_space<hbm>> -> memref<128xi32, #tpu.memory_space<hbm>>
          tpu.wait_dma2 semaphore(%arg15 : memref<!tpu.dma_semaphore, #tpu.memory_space<semaphore_mem>>) src(%dma_wait3A_342 : memref<128xi32, #tpu.memory_space<hbm>>) dst(%dma_wait3A_340 : memref<128xi32, #tpu.memory_space<vmem>>)
          %add3A_343 = arith.constant 2 : i32
          %add3A_344 = arith.addi %add3A_276, %add3A_343 : i32
          %dma_start3A_345 = arith.constant 0 : i32
          %dma_start3A_346 = arith.constant 0 : i32
          %dma_start3A_347 = tpu.memref_slice %arg8[%dma_start3A_345, %dma_start3A_346] : memref<2x128xi32, #tpu.memory_space<vmem>> -> memref<1x128xi32, #tpu.memory_space<vmem>>
          %dma_start3A_348 = tpu.memref_squeeze %dma_start3A_347 : memref<1x128xi32, #tpu.memory_space<vmem>> -> memref<128xi32, #tpu.memory_space<vmem>>
          %dma_start3A_349 = arith.constant 0 : i32
          %dma_start3A_350 = arith.constant 0 : i32
          %dma_start3A_351 = tpu.memref_slice %arg4[%dma_start3A_349, %dma_start3A_350] : memref<10000x128xf32, #tpu.memory_space<hbm>> -> memref<10000x128xf32, #tpu.memory_space<hbm>>
          tpu.enqueue_indirect_dma source(%dma_start3A_351 : memref<10000x128xf32, #tpu.memory_space<hbm>>) target(%arg11 : memref<128x128xf32, #tpu.memory_space<vmem>>) offsets(%dma_start3A_348 : memref<128xi32, #tpu.memory_space<vmem>>) semaphore(%arg18 : memref<!tpu.dma_semaphore, #tpu.memory_space<semaphore_mem>>)
        } else {
        }
      } else {
      }
      %mul3A_279 = arith.constant 3 : i32
      %mul3A_280 = arith.muli %mul3A_279, %add3A_272 : i32
      %add3A_281 = arith.constant 1 : i32
      %add3A_282 = arith.addi %mul3A_280, %add3A_281 : i32
      %lt3A_283 = arith.cmpi slt, %add3A_282, %select_n3A : i32
      %convert_element_type3A_284 = arith.extui %lt3A_283 : i1 to i32
      %cond3A_285 = arith.constant 0 : i32
      %cond3A_286 = arith.cmpi ne, %convert_element_type3A_284, %cond3A_285 : i32
      scf.if %cond3A_286 {
        %dma_wait3A_295 = arith.constant 0 : i32
        %dma_wait3A_296 = arith.constant 0 : i32
        %dma_wait3A_297 = tpu.memref_slice %arg7[%dma_wait3A_295, %dma_wait3A_296] : memref<2x128xi32, #tpu.memory_space<vmem>> -> memref<1x128xi32, #tpu.memory_space<vmem>>
        %dma_wait3A_298 = tpu.memref_squeeze %dma_wait3A_297 : memref<1x128xi32, #tpu.memory_space<vmem>> -> memref<128xi32, #tpu.memory_space<vmem>>
        %dma_wait3A_299 = arith.constant 0 : i32
        %dma_wait3A_300 = arith.constant 0 : i32
        %dma_wait3A_301 = tpu.memref_slice %arg4[%dma_wait3A_299, %dma_wait3A_300] : memref<10000x128xf32, #tpu.memory_space<hbm>> -> memref<10000x128xf32, #tpu.memory_space<hbm>>
        tpu.wait_indirect_dma semaphore(%arg17 : memref<!tpu.dma_semaphore, #tpu.memory_space<semaphore_mem>>) src(%dma_wait3A_301 : memref<10000x128xf32, #tpu.memory_space<hbm>>) dst(%arg10 : memref<128x128xf32, #tpu.memory_space<vmem>>)
        %run_scoped3A = arith.constant 1 : i32
        "tpu.region"() ({
          %run_scoped3A_314 = tpu.sem_alloc : memref<!tpu.dma_semaphore, #tpu.memory_space<semaphore_mem>>
          %dma_start3A_315 = arith.constant 0 : i32
          %dma_start3A_316 = tpu.memref_slice %arg7[%run_scoped3A, %dma_start3A_315] : memref<2x128xi32, #tpu.memory_space<vmem>> -> memref<1x128xi32, #tpu.memory_space<vmem>>
          %dma_start3A_317 = tpu.memref_squeeze %dma_start3A_316 : memref<1x128xi32, #tpu.memory_space<vmem>> -> memref<128xi32, #tpu.memory_space<vmem>>
          %dma_start3A_318 = arith.constant 0 : i32
          %dma_start3A_319 = arith.constant 0 : i32
          %dma_start3A_320 = tpu.memref_slice %arg12[%dma_start3A_318, %dma_start3A_319] : memref<10000x128xf32, #tpu.memory_space<vmem_shared>> -> memref<10000x128xf32, #tpu.memory_space<vmem_shared>>
          tpu.enqueue_indirect_dma source(%arg10 : memref<128x128xf32, #tpu.memory_space<vmem>>) target(%dma_start3A_320 : memref<10000x128xf32, #tpu.memory_space<vmem_shared>>) offsets(%dma_start3A_317 : memref<128xi32, #tpu.memory_space<vmem>>) semaphore(%run_scoped3A_314 : memref<!tpu.dma_semaphore, #tpu.memory_space<semaphore_mem>>) {add = true}
          %dma_wait3A_321 = arith.constant 0 : i32
          %dma_wait3A_322 = tpu.memref_slice %arg7[%run_scoped3A, %dma_wait3A_321] : memref<2x128xi32, #tpu.memory_space<vmem>> -> memref<1x128xi32, #tpu.memory_space<vmem>>
          %dma_wait3A_323 = tpu.memref_squeeze %dma_wait3A_322 : memref<1x128xi32, #tpu.memory_space<vmem>> -> memref<128xi32, #tpu.memory_space<vmem>>
          %dma_wait3A_324 = arith.constant 0 : i32
          %dma_wait3A_325 = arith.constant 0 : i32
          %dma_wait3A_326 = tpu.memref_slice %arg12[%dma_wait3A_324, %dma_wait3A_325] : memref<10000x128xf32, #tpu.memory_space<vmem_shared>> -> memref<10000x128xf32, #tpu.memory_space<vmem_shared>>
          tpu.wait_indirect_dma semaphore(%run_scoped3A_314 : memref<!tpu.dma_semaphore, #tpu.memory_space<semaphore_mem>>) src(%arg10 : memref<128x128xf32, #tpu.memory_space<vmem>>) dst(%dma_wait3A_326 : memref<10000x128xf32, #tpu.memory_space<vmem_shared>>)
          tpu.yield
        }) : () -> ()
        %add3A_302 = arith.constant 3 : i32
        %add3A_303 = arith.addi %add3A_282, %add3A_302 : i32
        %lt3A_304 = arith.cmpi slt, %add3A_303, %select_n3A : i32
        %convert_element_type3A_305 = arith.extui %lt3A_304 : i1 to i32
        %cond3A_306 = arith.constant 0 : i32
        %cond3A_307 = arith.cmpi ne, %convert_element_type3A_305, %cond3A_306 : i32
        scf.if %cond3A_307 {
          %add3A_314 = arith.constant 3 : i32
          %add3A_315 = arith.addi %add3A_282, %add3A_314 : i32
          %add3A_316 = arith.addi %select_n3A_11, %add3A_315 : i32
          %mul3A_317 = arith.constant 128 : i32
          %mul3A_318 = arith.muli %add3A_316, %mul3A_317 : i32
          %dma_start3A_319 = arith.constant 0 : i32
          %dma_start3A_320 = arith.constant 0 : i32
          %dma_start3A_321 = arith.constant 0 : i32
          %dma_start3A_322 = tpu.memref_slice %arg7[%dma_start3A_320, %dma_start3A_321] : memref<2x128xi32, #tpu.memory_space<vmem>> -> memref<1x128xi32, #tpu.memory_space<vmem>>
          %dma_start3A_323 = tpu.memref_squeeze %dma_start3A_322 : memref<1x128xi32, #tpu.memory_space<vmem>> -> memref<128xi32, #tpu.memory_space<vmem>>
          %dma_start3A_324 = tpu.memref_slice %arg2[%dma_start3A_319, %mul3A_318] : memref<2x320000xi32, #tpu.memory_space<hbm>> -> memref<1x128xi32, #tpu.memory_space<hbm>>
          %dma_start3A_325 = tpu.memref_squeeze %dma_start3A_324 : memref<1x128xi32, #tpu.memory_space<hbm>> -> memref<128xi32, #tpu.memory_space<hbm>>
          %dma_start3A_326 = arith.constant 0 : i32
          %dma_start3A_327 = tpu.memref_slice %arg7[%dma_start3A_320, %dma_start3A_326] : memref<2x128xi32, #tpu.memory_space<vmem>> -> memref<1x128xi32, #tpu.memory_space<vmem>>
          %dma_start3A_328 = tpu.memref_squeeze %dma_start3A_327 : memref<1x128xi32, #tpu.memory_space<vmem>> -> memref<128xi32, #tpu.memory_space<vmem>>
          %dma_start3A_329 = tpu.memref_slice %arg2[%dma_start3A_319, %mul3A_318] : memref<2x320000xi32, #tpu.memory_space<hbm>> -> memref<1x128xi32, #tpu.memory_space<hbm>>
          %dma_start3A_330 = tpu.memref_squeeze %dma_start3A_329 : memref<1x128xi32, #tpu.memory_space<hbm>> -> memref<128xi32, #tpu.memory_space<hbm>>
          tpu.enqueue_dma source(%dma_start3A_330 : memref<128xi32, #tpu.memory_space<hbm>>) target(%dma_start3A_328 : memref<128xi32, #tpu.memory_space<vmem>>) target_semaphore(%arg14 : memref<!tpu.dma_semaphore, #tpu.memory_space<semaphore_mem>>)
          %dma_start3A_331 = arith.constant 1 : i32
          %dma_start3A_332 = arith.constant 1 : i32
          %dma_start3A_333 = arith.constant 0 : i32
          %dma_start3A_334 = tpu.memref_slice %arg7[%dma_start3A_332, %dma_start3A_333] : memref<2x128xi32, #tpu.memory_space<vmem>> -> memref<1x128xi32, #tpu.memory_space<vmem>>
          %dma_start3A_335 = tpu.memref_squeeze %dma_start3A_334 : memref<1x128xi32, #tpu.memory_space<vmem>> -> memref<128xi32, #tpu.memory_space<vmem>>
          %dma_start3A_336 = tpu.memref_slice %arg2[%dma_start3A_331, %mul3A_318] : memref<2x320000xi32, #tpu.memory_space<hbm>> -> memref<1x128xi32, #tpu.memory_space<hbm>>
          %dma_start3A_337 = tpu.memref_squeeze %dma_start3A_336 : memref<1x128xi32, #tpu.memory_space<hbm>> -> memref<128xi32, #tpu.memory_space<hbm>>
          %dma_start3A_338 = arith.constant 0 : i32
          %dma_start3A_339 = tpu.memref_slice %arg7[%dma_start3A_332, %dma_start3A_338] : memref<2x128xi32, #tpu.memory_space<vmem>> -> memref<1x128xi32, #tpu.memory_space<vmem>>
          %dma_start3A_340 = tpu.memref_squeeze %dma_start3A_339 : memref<1x128xi32, #tpu.memory_space<vmem>> -> memref<128xi32, #tpu.memory_space<vmem>>
          %dma_start3A_341 = tpu.memref_slice %arg2[%dma_start3A_331, %mul3A_318] : memref<2x320000xi32, #tpu.memory_space<hbm>> -> memref<1x128xi32, #tpu.memory_space<hbm>>
          %dma_start3A_342 = tpu.memref_squeeze %dma_start3A_341 : memref<1x128xi32, #tpu.memory_space<hbm>> -> memref<128xi32, #tpu.memory_space<hbm>>
          tpu.enqueue_dma source(%dma_start3A_342 : memref<128xi32, #tpu.memory_space<hbm>>) target(%dma_start3A_340 : memref<128xi32, #tpu.memory_space<vmem>>) target_semaphore(%arg14 : memref<!tpu.dma_semaphore, #tpu.memory_space<semaphore_mem>>)
        } else {
        }
        %add3A_308 = arith.constant 2 : i32
        %add3A_309 = arith.addi %add3A_282, %add3A_308 : i32
        %lt3A_310 = arith.cmpi slt, %add3A_309, %select_n3A : i32
        %convert_element_type3A_311 = arith.extui %lt3A_310 : i1 to i32
        %cond3A_312 = arith.constant 0 : i32
        %cond3A_313 = arith.cmpi ne, %convert_element_type3A_311, %cond3A_312 : i32
        scf.if %cond3A_313 {
          %add3A_314 = arith.constant 2 : i32
          %add3A_315 = arith.addi %add3A_282, %add3A_314 : i32
          %add3A_316 = arith.addi %select_n3A_11, %add3A_315 : i32
          %mul3A_317 = arith.constant 128 : i32
          %mul3A_318 = arith.muli %add3A_316, %mul3A_317 : i32
          %dma_wait3A_319 = arith.constant 0 : i32
          %dma_wait3A_320 = arith.constant 0 : i32
          %dma_wait3A_321 = arith.constant 0 : i32
          %dma_wait3A_322 = tpu.memref_slice %arg6[%dma_wait3A_320, %dma_wait3A_321] : memref<2x128xi32, #tpu.memory_space<vmem>> -> memref<1x128xi32, #tpu.memory_space<vmem>>
          %dma_wait3A_323 = tpu.memref_squeeze %dma_wait3A_322 : memref<1x128xi32, #tpu.memory_space<vmem>> -> memref<128xi32, #tpu.memory_space<vmem>>
          %dma_wait3A_324 = tpu.memref_slice %arg2[%dma_wait3A_319, %mul3A_318] : memref<2x320000xi32, #tpu.memory_space<hbm>> -> memref<1x128xi32, #tpu.memory_space<hbm>>
          %dma_wait3A_325 = tpu.memref_squeeze %dma_wait3A_324 : memref<1x128xi32, #tpu.memory_space<hbm>> -> memref<128xi32, #tpu.memory_space<hbm>>
          %dma_wait3A_326 = arith.constant 0 : i32
          %dma_wait3A_327 = tpu.memref_slice %arg6[%dma_wait3A_320, %dma_wait3A_326] : memref<2x128xi32, #tpu.memory_space<vmem>> -> memref<1x128xi32, #tpu.memory_space<vmem>>
          %dma_wait3A_328 = tpu.memref_squeeze %dma_wait3A_327 : memref<1x128xi32, #tpu.memory_space<vmem>> -> memref<128xi32, #tpu.memory_space<vmem>>
          %dma_wait3A_329 = tpu.memref_slice %arg2[%dma_wait3A_319, %mul3A_318] : memref<2x320000xi32, #tpu.memory_space<hbm>> -> memref<1x128xi32, #tpu.memory_space<hbm>>
          %dma_wait3A_330 = tpu.memref_squeeze %dma_wait3A_329 : memref<1x128xi32, #tpu.memory_space<hbm>> -> memref<128xi32, #tpu.memory_space<hbm>>
          tpu.wait_dma2 semaphore(%arg13 : memref<!tpu.dma_semaphore, #tpu.memory_space<semaphore_mem>>) src(%dma_wait3A_330 : memref<128xi32, #tpu.memory_space<hbm>>) dst(%dma_wait3A_328 : memref<128xi32, #tpu.memory_space<vmem>>)
          %dma_wait3A_331 = arith.constant 1 : i32
          %dma_wait3A_332 = arith.constant 1 : i32
          %dma_wait3A_333 = arith.constant 0 : i32
          %dma_wait3A_334 = tpu.memref_slice %arg6[%dma_wait3A_332, %dma_wait3A_333] : memref<2x128xi32, #tpu.memory_space<vmem>> -> memref<1x128xi32, #tpu.memory_space<vmem>>
          %dma_wait3A_335 = tpu.memref_squeeze %dma_wait3A_334 : memref<1x128xi32, #tpu.memory_space<vmem>> -> memref<128xi32, #tpu.memory_space<vmem>>
          %dma_wait3A_336 = tpu.memref_slice %arg2[%dma_wait3A_331, %mul3A_318] : memref<2x320000xi32, #tpu.memory_space<hbm>> -> memref<1x128xi32, #tpu.memory_space<hbm>>
          %dma_wait3A_337 = tpu.memref_squeeze %dma_wait3A_336 : memref<1x128xi32, #tpu.memory_space<hbm>> -> memref<128xi32, #tpu.memory_space<hbm>>
          %dma_wait3A_338 = arith.constant 0 : i32
          %dma_wait3A_339 = tpu.memref_slice %arg6[%dma_wait3A_332, %dma_wait3A_338] : memref<2x128xi32, #tpu.memory_space<vmem>> -> memref<1x128xi32, #tpu.memory_space<vmem>>
          %dma_wait3A_340 = tpu.memref_squeeze %dma_wait3A_339 : memref<1x128xi32, #tpu.memory_space<vmem>> -> memref<128xi32, #tpu.memory_space<vmem>>
          %dma_wait3A_341 = tpu.memref_slice %arg2[%dma_wait3A_331, %mul3A_318] : memref<2x320000xi32, #tpu.memory_space<hbm>> -> memref<1x128xi32, #tpu.memory_space<hbm>>
          %dma_wait3A_342 = tpu.memref_squeeze %dma_wait3A_341 : memref<1x128xi32, #tpu.memory_space<hbm>> -> memref<128xi32, #tpu.memory_space<hbm>>
          tpu.wait_dma2 semaphore(%arg13 : memref<!tpu.dma_semaphore, #tpu.memory_space<semaphore_mem>>) src(%dma_wait3A_342 : memref<128xi32, #tpu.memory_space<hbm>>) dst(%dma_wait3A_340 : memref<128xi32, #tpu.memory_space<vmem>>)
          %add3A_343 = arith.constant 2 : i32
          %add3A_344 = arith.addi %add3A_282, %add3A_343 : i32
          %dma_start3A_345 = arith.constant 0 : i32
          %dma_start3A_346 = arith.constant 0 : i32
          %dma_start3A_347 = tpu.memref_slice %arg6[%dma_start3A_345, %dma_start3A_346] : memref<2x128xi32, #tpu.memory_space<vmem>> -> memref<1x128xi32, #tpu.memory_space<vmem>>
          %dma_start3A_348 = tpu.memref_squeeze %dma_start3A_347 : memref<1x128xi32, #tpu.memory_space<vmem>> -> memref<128xi32, #tpu.memory_space<vmem>>
          %dma_start3A_349 = arith.constant 0 : i32
          %dma_start3A_350 = arith.constant 0 : i32
          %dma_start3A_351 = tpu.memref_slice %arg4[%dma_start3A_349, %dma_start3A_350] : memref<10000x128xf32, #tpu.memory_space<hbm>> -> memref<10000x128xf32, #tpu.memory_space<hbm>>
          tpu.enqueue_indirect_dma source(%dma_start3A_351 : memref<10000x128xf32, #tpu.memory_space<hbm>>) target(%arg9 : memref<128x128xf32, #tpu.memory_space<vmem>>) offsets(%dma_start3A_348 : memref<128xi32, #tpu.memory_space<vmem>>) semaphore(%arg16 : memref<!tpu.dma_semaphore, #tpu.memory_space<semaphore_mem>>)
        } else {
        }
      } else {
      }
      %mul3A_287 = arith.constant 3 : i32
      %mul3A_288 = arith.muli %mul3A_287, %add3A_272 : i32
      %add3A_289 = arith.constant 2 : i32
      %add3A_290 = arith.addi %mul3A_288, %add3A_289 : i32
      %lt3A_291 = arith.cmpi slt, %add3A_290, %select_n3A : i32
      %convert_element_type3A_292 = arith.extui %lt3A_291 : i1 to i32
      %cond3A_293 = arith.constant 0 : i32
      %cond3A_294 = arith.cmpi ne, %convert_element_type3A_292, %cond3A_293 : i32
      scf.if %cond3A_294 {
        %dma_wait3A_295 = arith.constant 0 : i32
        %dma_wait3A_296 = arith.constant 0 : i32
        %dma_wait3A_297 = tpu.memref_slice %arg8[%dma_wait3A_295, %dma_wait3A_296] : memref<2x128xi32, #tpu.memory_space<vmem>> -> memref<1x128xi32, #tpu.memory_space<vmem>>
        %dma_wait3A_298 = tpu.memref_squeeze %dma_wait3A_297 : memref<1x128xi32, #tpu.memory_space<vmem>> -> memref<128xi32, #tpu.memory_space<vmem>>
        %dma_wait3A_299 = arith.constant 0 : i32
        %dma_wait3A_300 = arith.constant 0 : i32
        %dma_wait3A_301 = tpu.memref_slice %arg4[%dma_wait3A_299, %dma_wait3A_300] : memref<10000x128xf32, #tpu.memory_space<hbm>> -> memref<10000x128xf32, #tpu.memory_space<hbm>>
        tpu.wait_indirect_dma semaphore(%arg18 : memref<!tpu.dma_semaphore, #tpu.memory_space<semaphore_mem>>) src(%dma_wait3A_301 : memref<10000x128xf32, #tpu.memory_space<hbm>>) dst(%arg11 : memref<128x128xf32, #tpu.memory_space<vmem>>)
        %run_scoped3A = arith.constant 1 : i32
        "tpu.region"() ({
          %run_scoped3A_314 = tpu.sem_alloc : memref<!tpu.dma_semaphore, #tpu.memory_space<semaphore_mem>>
          %dma_start3A_315 = arith.constant 0 : i32
          %dma_start3A_316 = tpu.memref_slice %arg8[%run_scoped3A, %dma_start3A_315] : memref<2x128xi32, #tpu.memory_space<vmem>> -> memref<1x128xi32, #tpu.memory_space<vmem>>
          %dma_start3A_317 = tpu.memref_squeeze %dma_start3A_316 : memref<1x128xi32, #tpu.memory_space<vmem>> -> memref<128xi32, #tpu.memory_space<vmem>>
          %dma_start3A_318 = arith.constant 0 : i32
          %dma_start3A_319 = arith.constant 0 : i32
          %dma_start3A_320 = tpu.memref_slice %arg12[%dma_start3A_318, %dma_start3A_319] : memref<10000x128xf32, #tpu.memory_space<vmem_shared>> -> memref<10000x128xf32, #tpu.memory_space<vmem_shared>>
          tpu.enqueue_indirect_dma source(%arg11 : memref<128x128xf32, #tpu.memory_space<vmem>>) target(%dma_start3A_320 : memref<10000x128xf32, #tpu.memory_space<vmem_shared>>) offsets(%dma_start3A_317 : memref<128xi32, #tpu.memory_space<vmem>>) semaphore(%run_scoped3A_314 : memref<!tpu.dma_semaphore, #tpu.memory_space<semaphore_mem>>) {add = true}
          %dma_wait3A_321 = arith.constant 0 : i32
          %dma_wait3A_322 = tpu.memref_slice %arg8[%run_scoped3A, %dma_wait3A_321] : memref<2x128xi32, #tpu.memory_space<vmem>> -> memref<1x128xi32, #tpu.memory_space<vmem>>
          %dma_wait3A_323 = tpu.memref_squeeze %dma_wait3A_322 : memref<1x128xi32, #tpu.memory_space<vmem>> -> memref<128xi32, #tpu.memory_space<vmem>>
          %dma_wait3A_324 = arith.constant 0 : i32
          %dma_wait3A_325 = arith.constant 0 : i32
          %dma_wait3A_326 = tpu.memref_slice %arg12[%dma_wait3A_324, %dma_wait3A_325] : memref<10000x128xf32, #tpu.memory_space<vmem_shared>> -> memref<10000x128xf32, #tpu.memory_space<vmem_shared>>
          tpu.wait_indirect_dma semaphore(%run_scoped3A_314 : memref<!tpu.dma_semaphore, #tpu.memory_space<semaphore_mem>>) src(%arg11 : memref<128x128xf32, #tpu.memory_space<vmem>>) dst(%dma_wait3A_326 : memref<10000x128xf32, #tpu.memory_space<vmem_shared>>)
          tpu.yield
        }) : () -> ()
        %add3A_302 = arith.constant 3 : i32
        %add3A_303 = arith.addi %add3A_290, %add3A_302 : i32
        %lt3A_304 = arith.cmpi slt, %add3A_303, %select_n3A : i32
        %convert_element_type3A_305 = arith.extui %lt3A_304 : i1 to i32
        %cond3A_306 = arith.constant 0 : i32
        %cond3A_307 = arith.cmpi ne, %convert_element_type3A_305, %cond3A_306 : i32
        scf.if %cond3A_307 {
          %add3A_314 = arith.constant 3 : i32
          %add3A_315 = arith.addi %add3A_290, %add3A_314 : i32
          %add3A_316 = arith.addi %select_n3A_11, %add3A_315 : i32
          %mul3A_317 = arith.constant 128 : i32
          %mul3A_318 = arith.muli %add3A_316, %mul3A_317 : i32
          %dma_start3A_319 = arith.constant 0 : i32
          %dma_start3A_320 = arith.constant 0 : i32
          %dma_start3A_321 = arith.constant 0 : i32
          %dma_start3A_322 = tpu.memref_slice %arg8[%dma_start3A_320, %dma_start3A_321] : memref<2x128xi32, #tpu.memory_space<vmem>> -> memref<1x128xi32, #tpu.memory_space<vmem>>
          %dma_start3A_323 = tpu.memref_squeeze %dma_start3A_322 : memref<1x128xi32, #tpu.memory_space<vmem>> -> memref<128xi32, #tpu.memory_space<vmem>>
          %dma_start3A_324 = tpu.memref_slice %arg2[%dma_start3A_319, %mul3A_318] : memref<2x320000xi32, #tpu.memory_space<hbm>> -> memref<1x128xi32, #tpu.memory_space<hbm>>
          %dma_start3A_325 = tpu.memref_squeeze %dma_start3A_324 : memref<1x128xi32, #tpu.memory_space<hbm>> -> memref<128xi32, #tpu.memory_space<hbm>>
          %dma_start3A_326 = arith.constant 0 : i32
          %dma_start3A_327 = tpu.memref_slice %arg8[%dma_start3A_320, %dma_start3A_326] : memref<2x128xi32, #tpu.memory_space<vmem>> -> memref<1x128xi32, #tpu.memory_space<vmem>>
          %dma_start3A_328 = tpu.memref_squeeze %dma_start3A_327 : memref<1x128xi32, #tpu.memory_space<vmem>> -> memref<128xi32, #tpu.memory_space<vmem>>
          %dma_start3A_329 = tpu.memref_slice %arg2[%dma_start3A_319, %mul3A_318] : memref<2x320000xi32, #tpu.memory_space<hbm>> -> memref<1x128xi32, #tpu.memory_space<hbm>>
          %dma_start3A_330 = tpu.memref_squeeze %dma_start3A_329 : memref<1x128xi32, #tpu.memory_space<hbm>> -> memref<128xi32, #tpu.memory_space<hbm>>
          tpu.enqueue_dma source(%dma_start3A_330 : memref<128xi32, #tpu.memory_space<hbm>>) target(%dma_start3A_328 : memref<128xi32, #tpu.memory_space<vmem>>) target_semaphore(%arg15 : memref<!tpu.dma_semaphore, #tpu.memory_space<semaphore_mem>>)
          %dma_start3A_331 = arith.constant 1 : i32
          %dma_start3A_332 = arith.constant 1 : i32
          %dma_start3A_333 = arith.constant 0 : i32
          %dma_start3A_334 = tpu.memref_slice %arg8[%dma_start3A_332, %dma_start3A_333] : memref<2x128xi32, #tpu.memory_space<vmem>> -> memref<1x128xi32, #tpu.memory_space<vmem>>
          %dma_start3A_335 = tpu.memref_squeeze %dma_start3A_334 : memref<1x128xi32, #tpu.memory_space<vmem>> -> memref<128xi32, #tpu.memory_space<vmem>>
          %dma_start3A_336 = tpu.memref_slice %arg2[%dma_start3A_331, %mul3A_318] : memref<2x320000xi32, #tpu.memory_space<hbm>> -> memref<1x128xi32, #tpu.memory_space<hbm>>
          %dma_start3A_337 = tpu.memref_squeeze %dma_start3A_336 : memref<1x128xi32, #tpu.memory_space<hbm>> -> memref<128xi32, #tpu.memory_space<hbm>>
          %dma_start3A_338 = arith.constant 0 : i32
          %dma_start3A_339 = tpu.memref_slice %arg8[%dma_start3A_332, %dma_start3A_338] : memref<2x128xi32, #tpu.memory_space<vmem>> -> memref<1x128xi32, #tpu.memory_space<vmem>>
          %dma_start3A_340 = tpu.memref_squeeze %dma_start3A_339 : memref<1x128xi32, #tpu.memory_space<vmem>> -> memref<128xi32, #tpu.memory_space<vmem>>
          %dma_start3A_341 = tpu.memref_slice %arg2[%dma_start3A_331, %mul3A_318] : memref<2x320000xi32, #tpu.memory_space<hbm>> -> memref<1x128xi32, #tpu.memory_space<hbm>>
          %dma_start3A_342 = tpu.memref_squeeze %dma_start3A_341 : memref<1x128xi32, #tpu.memory_space<hbm>> -> memref<128xi32, #tpu.memory_space<hbm>>
          tpu.enqueue_dma source(%dma_start3A_342 : memref<128xi32, #tpu.memory_space<hbm>>) target(%dma_start3A_340 : memref<128xi32, #tpu.memory_space<vmem>>) target_semaphore(%arg15 : memref<!tpu.dma_semaphore, #tpu.memory_space<semaphore_mem>>)
        } else {
        }
        %add3A_308 = arith.constant 2 : i32
        %add3A_309 = arith.addi %add3A_290, %add3A_308 : i32
        %lt3A_310 = arith.cmpi slt, %add3A_309, %select_n3A : i32
        %convert_element_type3A_311 = arith.extui %lt3A_310 : i1 to i32
        %cond3A_312 = arith.constant 0 : i32
        %cond3A_313 = arith.cmpi ne, %convert_element_type3A_311, %cond3A_312 : i32
        scf.if %cond3A_313 {
          %add3A_314 = arith.constant 2 : i32
          %add3A_315 = arith.addi %add3A_290, %add3A_314 : i32
          %add3A_316 = arith.addi %select_n3A_11, %add3A_315 : i32
          %mul3A_317 = arith.constant 128 : i32
          %mul3A_318 = arith.muli %add3A_316, %mul3A_317 : i32
          %dma_wait3A_319 = arith.constant 0 : i32
          %dma_wait3A_320 = arith.constant 0 : i32
          %dma_wait3A_321 = arith.constant 0 : i32
          %dma_wait3A_322 = tpu.memref_slice %arg7[%dma_wait3A_320, %dma_wait3A_321] : memref<2x128xi32, #tpu.memory_space<vmem>> -> memref<1x128xi32, #tpu.memory_space<vmem>>
          %dma_wait3A_323 = tpu.memref_squeeze %dma_wait3A_322 : memref<1x128xi32, #tpu.memory_space<vmem>> -> memref<128xi32, #tpu.memory_space<vmem>>
          %dma_wait3A_324 = tpu.memref_slice %arg2[%dma_wait3A_319, %mul3A_318] : memref<2x320000xi32, #tpu.memory_space<hbm>> -> memref<1x128xi32, #tpu.memory_space<hbm>>
          %dma_wait3A_325 = tpu.memref_squeeze %dma_wait3A_324 : memref<1x128xi32, #tpu.memory_space<hbm>> -> memref<128xi32, #tpu.memory_space<hbm>>
          %dma_wait3A_326 = arith.constant 0 : i32
          %dma_wait3A_327 = tpu.memref_slice %arg7[%dma_wait3A_320, %dma_wait3A_326] : memref<2x128xi32, #tpu.memory_space<vmem>> -> memref<1x128xi32, #tpu.memory_space<vmem>>
          %dma_wait3A_328 = tpu.memref_squeeze %dma_wait3A_327 : memref<1x128xi32, #tpu.memory_space<vmem>> -> memref<128xi32, #tpu.memory_space<vmem>>
          %dma_wait3A_329 = tpu.memref_slice %arg2[%dma_wait3A_319, %mul3A_318] : memref<2x320000xi32, #tpu.memory_space<hbm>> -> memref<1x128xi32, #tpu.memory_space<hbm>>
          %dma_wait3A_330 = tpu.memref_squeeze %dma_wait3A_329 : memref<1x128xi32, #tpu.memory_space<hbm>> -> memref<128xi32, #tpu.memory_space<hbm>>
          tpu.wait_dma2 semaphore(%arg14 : memref<!tpu.dma_semaphore, #tpu.memory_space<semaphore_mem>>) src(%dma_wait3A_330 : memref<128xi32, #tpu.memory_space<hbm>>) dst(%dma_wait3A_328 : memref<128xi32, #tpu.memory_space<vmem>>)
          %dma_wait3A_331 = arith.constant 1 : i32
          %dma_wait3A_332 = arith.constant 1 : i32
          %dma_wait3A_333 = arith.constant 0 : i32
          %dma_wait3A_334 = tpu.memref_slice %arg7[%dma_wait3A_332, %dma_wait3A_333] : memref<2x128xi32, #tpu.memory_space<vmem>> -> memref<1x128xi32, #tpu.memory_space<vmem>>
          %dma_wait3A_335 = tpu.memref_squeeze %dma_wait3A_334 : memref<1x128xi32, #tpu.memory_space<vmem>> -> memref<128xi32, #tpu.memory_space<vmem>>
          %dma_wait3A_336 = tpu.memref_slice %arg2[%dma_wait3A_331, %mul3A_318] : memref<2x320000xi32, #tpu.memory_space<hbm>> -> memref<1x128xi32, #tpu.memory_space<hbm>>
          %dma_wait3A_337 = tpu.memref_squeeze %dma_wait3A_336 : memref<1x128xi32, #tpu.memory_space<hbm>> -> memref<128xi32, #tpu.memory_space<hbm>>
          %dma_wait3A_338 = arith.constant 0 : i32
          %dma_wait3A_339 = tpu.memref_slice %arg7[%dma_wait3A_332, %dma_wait3A_338] : memref<2x128xi32, #tpu.memory_space<vmem>> -> memref<1x128xi32, #tpu.memory_space<vmem>>
          %dma_wait3A_340 = tpu.memref_squeeze %dma_wait3A_339 : memref<1x128xi32, #tpu.memory_space<vmem>> -> memref<128xi32, #tpu.memory_space<vmem>>
          %dma_wait3A_341 = tpu.memref_slice %arg2[%dma_wait3A_331, %mul3A_318] : memref<2x320000xi32, #tpu.memory_space<hbm>> -> memref<1x128xi32, #tpu.memory_space<hbm>>
          %dma_wait3A_342 = tpu.memref_squeeze %dma_wait3A_341 : memref<1x128xi32, #tpu.memory_space<hbm>> -> memref<128xi32, #tpu.memory_space<hbm>>
          tpu.wait_dma2 semaphore(%arg14 : memref<!tpu.dma_semaphore, #tpu.memory_space<semaphore_mem>>) src(%dma_wait3A_342 : memref<128xi32, #tpu.memory_space<hbm>>) dst(%dma_wait3A_340 : memref<128xi32, #tpu.memory_space<vmem>>)
          %add3A_343 = arith.constant 2 : i32
          %add3A_344 = arith.addi %add3A_290, %add3A_343 : i32
          %dma_start3A_345 = arith.constant 0 : i32
          %dma_start3A_346 = arith.constant 0 : i32
          %dma_start3A_347 = tpu.memref_slice %arg7[%dma_start3A_345, %dma_start3A_346] : memref<2x128xi32, #tpu.memory_space<vmem>> -> memref<1x128xi32, #tpu.memory_space<vmem>>
          %dma_start3A_348 = tpu.memref_squeeze %dma_start3A_347 : memref<1x128xi32, #tpu.memory_space<vmem>> -> memref<128xi32, #tpu.memory_space<vmem>>
          %dma_start3A_349 = arith.constant 0 : i32
          %dma_start3A_350 = arith.constant 0 : i32
          %dma_start3A_351 = tpu.memref_slice %arg4[%dma_start3A_349, %dma_start3A_350] : memref<10000x128xf32, #tpu.memory_space<hbm>> -> memref<10000x128xf32, #tpu.memory_space<hbm>>
          tpu.enqueue_indirect_dma source(%dma_start3A_351 : memref<10000x128xf32, #tpu.memory_space<hbm>>) target(%arg10 : memref<128x128xf32, #tpu.memory_space<vmem>>) offsets(%dma_start3A_348 : memref<128xi32, #tpu.memory_space<vmem>>) semaphore(%arg17 : memref<!tpu.dma_semaphore, #tpu.memory_space<semaphore_mem>>)
        } else {
        }
      } else {
      }
    }
    %scan3A_261 = arith.constant 27 : i32
    %barrier3A_262 = arith.constant 0 : index
    tpu.barrier barrier_id(%barrier3A_262)
    %scan3A_263 = arith.constant 0 : i32
    %scan3A_264 = arith.constant 8 : i32
    %scan3A_265 = arith.addi %scan3A_263, %scan3A_264 : i32
    %scan3A_266 = arith.constant 1 : i32
    scf.for %scan3A_268 = %scan3A_263 to %scan3A_265 step %scan3A_266  : i32 {
      %mul3A_269 = arith.constant 1 : i32
      %mul3A_270 = arith.muli %scan3A_268, %mul3A_269 : i32
      %add3A_271 = arith.constant 0 : i32
      %add3A_272 = arith.addi %add3A_271, %mul3A_270 : i32
      %mul3A_273 = arith.constant 16 : i32
      %mul3A_274 = arith.muli %add3A_272, %mul3A_273 : i32
      %add3A_275 = arith.addi %mul3A_274, %arg1 : i32
      %lt3A_276 = arith.constant 125 : i32
      %lt3A_277 = arith.cmpi slt, %add3A_275, %lt3A_276 : i32
      %convert_element_type3A = arith.extui %lt3A_277 : i1 to i32
      %cond3A = arith.constant 0 : i32
      %cond3A_278 = arith.cmpi ne, %convert_element_type3A, %cond3A : i32
      scf.if %cond3A_278 {
        %mul3A_279 = arith.constant 80 : i32
        %mul3A_280 = arith.muli %add3A_275, %mul3A_279 : i32
        %mul3A_281 = arith.constant 80 : i32
        %mul3A_282 = arith.muli %add3A_275, %mul3A_281 : i32
        "tpu.region"() ({
          %run_scoped3A = tpu.sem_alloc : memref<!tpu.dma_semaphore, #tpu.memory_space<semaphore_mem>>
          %dma_start3A_283 = arith.constant 0 : i32
          %dma_start3A_284 = tpu.memref_slice %arg5[%arg0, %mul3A_282, %dma_start3A_283] : memref<2x10000x128xf32, #tpu.memory_space<hbm>> -> memref<1x80x128xf32, #tpu.memory_space<hbm>>
          %dma_start3A_285 = tpu.memref_squeeze %dma_start3A_284 : memref<1x80x128xf32, #tpu.memory_space<hbm>> -> memref<80x128xf32, #tpu.memory_space<hbm>>
          %dma_start3A_286 = arith.constant 0 : i32
          %dma_start3A_287 = tpu.memref_slice %arg12[%mul3A_280, %dma_start3A_286] : memref<10000x128xf32, #tpu.memory_space<vmem_shared>> -> memref<80x128xf32, #tpu.memory_space<vmem_shared>>
          tpu.enqueue_dma source(%dma_start3A_287 : memref<80x128xf32, #tpu.memory_space<vmem_shared>>) target(%dma_start3A_285 : memref<80x128xf32, #tpu.memory_space<hbm>>) target_semaphore(%run_scoped3A : memref<!tpu.dma_semaphore, #tpu.memory_space<semaphore_mem>>)
          %dma_wait3A_288 = arith.constant 0 : i32
          %dma_wait3A_289 = tpu.memref_slice %arg5[%arg0, %mul3A_282, %dma_wait3A_288] : memref<2x10000x128xf32, #tpu.memory_space<hbm>> -> memref<1x80x128xf32, #tpu.memory_space<hbm>>
          %dma_wait3A_290 = tpu.memref_squeeze %dma_wait3A_289 : memref<1x80x128xf32, #tpu.memory_space<hbm>> -> memref<80x128xf32, #tpu.memory_space<hbm>>
          %dma_wait3A_291 = arith.constant 0 : i32
          %dma_wait3A_292 = tpu.memref_slice %arg12[%mul3A_280, %dma_wait3A_291] : memref<10000x128xf32, #tpu.memory_space<vmem_shared>> -> memref<80x128xf32, #tpu.memory_space<vmem_shared>>
          tpu.wait_dma2 semaphore(%run_scoped3A : memref<!tpu.dma_semaphore, #tpu.memory_space<semaphore_mem>>) src(%dma_wait3A_292 : memref<80x128xf32, #tpu.memory_space<vmem_shared>>) dst(%dma_wait3A_290 : memref<80x128xf32, #tpu.memory_space<hbm>>)
          tpu.yield
        }) : () -> ()
      } else {
      }
    }
    %scan3A_267 = arith.constant 8 : i32
    return
  }
}

module attributes {stable_mosaic.version = 14 : i64} {
  func.func @_tc_body(%arg0: i32, %arg1: memref<2x2000x128xf32, #tpu.memory_space<vmem>>, %arg2: memref<2000x128xf32, #tpu.memory_space<vmem>>, %arg3: memref<10000x1xi32, #tpu.memory_space<vmem>>, %arg4: memref<128x256xf32, #tpu.memory_space<vmem>>, %arg5: memref<1x256xf32, #tpu.memory_space<vmem>>, %arg6: memref<256x128xf32, #tpu.memory_space<vmem>>, %arg7: memref<1x128xf32, #tpu.memory_space<vmem>>, %arg8: memref<1x1xf32, #tpu.memory_space<vmem>>, %arg9: memref<1x128xf32, #tpu.memory_space<vmem>>, %arg10: memref<1x128xf32, #tpu.memory_space<vmem>>, %arg11: memref<2000x128xf32, #tpu.memory_space<vmem>>, %arg12: memref<1x64xf32, #tpu.memory_space<vmem>>) attributes {dimension_semantics = [#tpu.dimension_semantics<arbitrary>], iteration_bounds = array<i64: 5>, scalar_prefetch = 0 : i64, scratch_operands = 1 : i64, tpu.core_type = #tpu.core_type<tc>, window_params = [{transform_indices = @transform_0, window_bounds = array<i64: 2, 2000, 128>}, {transform_indices = @transform_1, window_bounds = array<i64: 2000, 128>}, {pipeline_mode = #tpu.pipeline_mode<synchronous>, transform_indices = @transform_2, window_bounds = array<i64: 10000, 1>}, {pipeline_mode = #tpu.pipeline_mode<synchronous>, transform_indices = @transform_3, window_bounds = array<i64: 128, 256>}, {pipeline_mode = #tpu.pipeline_mode<synchronous>, transform_indices = @transform_4, window_bounds = array<i64: 1, 256>}, {pipeline_mode = #tpu.pipeline_mode<synchronous>, transform_indices = @transform_5, window_bounds = array<i64: 256, 128>}, {pipeline_mode = #tpu.pipeline_mode<synchronous>, transform_indices = @transform_6, window_bounds = array<i64: 1, 128>}, {pipeline_mode = #tpu.pipeline_mode<synchronous>, transform_indices = @transform_7, window_bounds = array<i64: 1, 1>}, {pipeline_mode = #tpu.pipeline_mode<synchronous>, transform_indices = @transform_8, window_bounds = array<i64: 1, 128>}, {pipeline_mode = #tpu.pipeline_mode<synchronous>, transform_indices = @transform_9, window_bounds = array<i64: 1, 128>}, {transform_indices = @transform_10, window_bounds = array<i64: 2000, 128>}]} {
    %eq3A = arith.constant 0 : i32
    %eq3A_0 = arith.cmpi eq, %arg0, %eq3A : i32
    %convert_element_type3A = arith.extui %eq3A_0 : i1 to i32
    %cond3A = arith.constant 0 : i32
    %cond3A_1 = arith.cmpi ne, %convert_element_type3A, %cond3A : i32
    scf.if %cond3A_1 {
      %get3A_91 = arith.constant 0 : index
      %get3A_92 = arith.constant 0 : index
      %get3A_93 = vector.load %arg3[%get3A_91, %get3A_92] : memref<10000x1xi32, #tpu.memory_space<vmem>>, vector<10000x1xi32>
      %iota3A_94 = tpu.iota {dimensions = array<i32: 1>} : vector<10000x64xi32>
      %eq3A_95 = vector.broadcast %get3A_93 : vector<10000x1xi32> to vector<10000x64xi32>
      %eq3A_96 = arith.cmpi eq, %eq3A_95, %iota3A_94 : vector<10000x64xi32>
      %convert_element_type3A_97 = arith.extui %eq3A_96 : vector<10000x64xi1> to vector<10000x64xi32>
      %convert_element_type3A_98 = arith.sitofp %convert_element_type3A_97 : vector<10000x64xi32> to vector<10000x64xf32>
      %reduce_sum3A_99 = arith.constant dense<0.000000e+00> : vector<64xf32>
      %reduce_sum3A_100 = vector.multi_reduction <add>, %convert_element_type3A_98, %reduce_sum3A_99 [0] : vector<10000x64xf32> to vector<64xf32>
      %broadcast_in_dim3A_101 = vector.shape_cast %reduce_sum3A_100 : vector<64xf32> to vector<1x64xf32>
      %max3A_102 = arith.constant 1.000000e+00 : f32
      %max3A_103 = vector.broadcast %max3A_102 : f32 to vector<1x64xf32>
      %max3A_104 = arith.maximumf %broadcast_in_dim3A_101, %max3A_103 : vector<1x64xf32>
      %rsqrt3A_105 = math.rsqrt %max3A_104 : vector<1x64xf32>
      %swap3A_106 = arith.constant 0 : index
      %swap3A_107 = arith.constant 0 : index
      %swap3A_108 = vector.load %arg12[%swap3A_106, %swap3A_107] : memref<1x64xf32, #tpu.memory_space<vmem>>, vector<1x64xf32>
      tpu.vector_store %arg12[%swap3A_106, %swap3A_107], %rsqrt3A_105 {strides = array<i32>} : memref<1x64xf32, #tpu.memory_space<vmem>>, vector<1x64xf32>,
    } else {
    }
    %get3A = arith.constant 0 : index
    %get3A_2 = arith.constant 0 : index
    %get3A_3 = arith.constant 0 : index
    %get3A_4 = vector.load %arg1[%get3A, %get3A_2, %get3A_3] : memref<2x2000x128xf32, #tpu.memory_space<vmem>>, vector<2x2000x128xf32>
    %get3A_5 = arith.constant 0 : index
    %get3A_6 = arith.constant 0 : index
    %get3A_7 = vector.load %arg2[%get3A_5, %get3A_6] : memref<2000x128xf32, #tpu.memory_space<vmem>>, vector<2000x128xf32>
    %slice3A = vector.extract_strided_slice %get3A_4 {offsets = [0, 0, 0], sizes = [1, 2000, 128], strides = [1, 1, 1]} : vector<2x2000x128xf32> to vector<1x2000x128xf32>
    %squeeze3A = vector.shape_cast %slice3A : vector<1x2000x128xf32> to vector<2000x128xf32>
    %slice3A_8 = vector.extract_strided_slice %get3A_4 {offsets = [1, 0, 0], sizes = [1, 2000, 128], strides = [1, 1, 1]} : vector<2x2000x128xf32> to vector<1x2000x128xf32>
    %squeeze3A_9 = vector.shape_cast %slice3A_8 : vector<1x2000x128xf32> to vector<2000x128xf32>
    %add3A = arith.addf %squeeze3A, %squeeze3A_9 : vector<2000x128xf32>
    %get3A_10 = arith.constant 0 : index
    %get3A_11 = arith.constant 0 : index
    %get3A_12 = vector.load %arg8[%get3A_10, %get3A_11] : memref<1x1xf32, #tpu.memory_space<vmem>>, vector<1x1xf32>
    %get3A_13 = vector.extract %get3A_12[0, 0] : f32 from vector<1x1xf32>
    %add3A_14 = arith.constant 1.000000e+00 : f32
    %add3A_15 = arith.addf %add3A_14, %get3A_13 : f32
    %mul3A = vector.broadcast %add3A_15 : f32 to vector<2000x128xf32>
    %mul3A_16 = arith.mulf %mul3A, %get3A_7 : vector<2000x128xf32>
    %add3A_17 = arith.addf %add3A, %mul3A_16 : vector<2000x128xf32>
    %get3A_18 = arith.constant 0 : index
    %get3A_19 = arith.constant 0 : index
    %get3A_20 = vector.load %arg4[%get3A_18, %get3A_19] : memref<128x256xf32, #tpu.memory_space<vmem>>, vector<128x256xf32>
    %dot_general3A = arith.constant dense<0.000000e+00> : vector<2000x256xf32>
    %dot_general3A_21 = tpu.matmul %add3A_17, %get3A_20, %dot_general3A {dimension_numbers = #tpu.dot_dimension_numbers<[1], [0], [0], [1], [0, 0, 1, 1], [], []>, precision = #tpu.contract_precision<fp32>, transpose_lhs_hint = false} : vector<2000x128xf32>, vector<128x256xf32>, vector<2000x256xf32> -> vector<2000x256xf32>
    %get3A_22 = arith.constant 0 : index
    %get3A_23 = arith.constant 0 : index
    %get3A_24 = vector.load %arg5[%get3A_22, %get3A_23] : memref<1x256xf32, #tpu.memory_space<vmem>>, vector<1x256xf32>
    %add3A_25 = vector.broadcast %get3A_24 : vector<1x256xf32> to vector<2000x256xf32>
    %add3A_26 = arith.addf %dot_general3A_21, %add3A_25 : vector<2000x256xf32>
    %max3A = arith.constant 0.000000e+00 : f32
    %max3A_27 = vector.broadcast %max3A : f32 to vector<2000x256xf32>
    %max3A_28 = arith.maximumf %add3A_26, %max3A_27 : vector<2000x256xf32>
    %get3A_29 = arith.constant 0 : index
    %get3A_30 = arith.constant 0 : index
    %get3A_31 = vector.load %arg6[%get3A_29, %get3A_30] : memref<256x128xf32, #tpu.memory_space<vmem>>, vector<256x128xf32>
    %dot_general3A_32 = arith.constant dense<0.000000e+00> : vector<2000x128xf32>
    %dot_general3A_33 = tpu.matmul %max3A_28, %get3A_31, %dot_general3A_32 {dimension_numbers = #tpu.dot_dimension_numbers<[1], [0], [0], [1], [0, 0, 1, 1], [], []>, precision = #tpu.contract_precision<fp32>, transpose_lhs_hint = false} : vector<2000x256xf32>, vector<256x128xf32>, vector<2000x128xf32> -> vector<2000x128xf32>
    %get3A_34 = arith.constant 0 : index
    %get3A_35 = arith.constant 0 : index
    %get3A_36 = vector.load %arg7[%get3A_34, %get3A_35] : memref<1x128xf32, #tpu.memory_space<vmem>>, vector<1x128xf32>
    %add3A_37 = vector.broadcast %get3A_36 : vector<1x128xf32> to vector<2000x128xf32>
    %add3A_38 = arith.addf %dot_general3A_33, %add3A_37 : vector<2000x128xf32>
    %reduce_sum3A = arith.constant dense<0.000000e+00> : vector<2000xf32>
    %reduce_sum3A_39 = vector.multi_reduction <add>, %add3A_38, %reduce_sum3A [1] : vector<2000x128xf32> to vector<2000xf32>
    %broadcast_in_dim3A = vector.shape_cast %reduce_sum3A_39 : vector<2000xf32> to vector<2000x1xf32>
    %div3A = arith.constant 1.280000e+02 : f32
    %div3A_40 = vector.broadcast %div3A : f32 to vector<2000x1xf32>
    %div3A_41 = arith.divf %broadcast_in_dim3A, %div3A_40 : vector<2000x1xf32>
    %sub3A = vector.broadcast %div3A_41 : vector<2000x1xf32> to vector<2000x128xf32>
    %sub3A_42 = arith.subf %add3A_38, %sub3A : vector<2000x128xf32>
    %integer_pow3A = arith.mulf %sub3A_42, %sub3A_42 : vector<2000x128xf32>
    %reduce_sum3A_43 = arith.constant dense<0.000000e+00> : vector<2000xf32>
    %reduce_sum3A_44 = vector.multi_reduction <add>, %integer_pow3A, %reduce_sum3A_43 [1] : vector<2000x128xf32> to vector<2000xf32>
    %broadcast_in_dim3A_45 = vector.shape_cast %reduce_sum3A_44 : vector<2000xf32> to vector<2000x1xf32>
    %div3A_46 = arith.constant 1.280000e+02 : f32
    %div3A_47 = vector.broadcast %div3A_46 : f32 to vector<2000x1xf32>
    %div3A_48 = arith.divf %broadcast_in_dim3A_45, %div3A_47 : vector<2000x1xf32>
    %sub3A_49 = vector.broadcast %div3A_41 : vector<2000x1xf32> to vector<2000x128xf32>
    %sub3A_50 = arith.subf %add3A_38, %sub3A_49 : vector<2000x128xf32>
    %add3A_51 = arith.constant 9.99999974E-6 : f32
    %add3A_52 = vector.broadcast %add3A_51 : f32 to vector<2000x1xf32>
    %add3A_53 = arith.addf %div3A_48, %add3A_52 : vector<2000x1xf32>
    %rsqrt3A = math.rsqrt %add3A_53 : vector<2000x1xf32>
    %mul3A_54 = vector.broadcast %rsqrt3A : vector<2000x1xf32> to vector<2000x128xf32>
    %mul3A_55 = arith.mulf %sub3A_50, %mul3A_54 : vector<2000x128xf32>
    %get3A_56 = arith.constant 0 : index
    %get3A_57 = arith.constant 0 : index
    %get3A_58 = vector.load %arg9[%get3A_56, %get3A_57] : memref<1x128xf32, #tpu.memory_space<vmem>>, vector<1x128xf32>
    %mul3A_59 = vector.broadcast %get3A_58 : vector<1x128xf32> to vector<2000x128xf32>
    %mul3A_60 = arith.mulf %mul3A_55, %mul3A_59 : vector<2000x128xf32>
    %get3A_61 = arith.constant 0 : index
    %get3A_62 = arith.constant 0 : index
    %get3A_63 = vector.load %arg10[%get3A_61, %get3A_62] : memref<1x128xf32, #tpu.memory_space<vmem>>, vector<1x128xf32>
    %add3A_64 = vector.broadcast %get3A_63 : vector<1x128xf32> to vector<2000x128xf32>
    %add3A_65 = arith.addf %mul3A_60, %add3A_64 : vector<2000x128xf32>
    %get3A_66 = arith.constant 0 : index
    %get3A_67 = arith.constant 0 : index
    %get3A_68 = vector.load %arg12[%get3A_66, %get3A_67] : memref<1x64xf32, #tpu.memory_space<vmem>>, vector<1x64xf32>
    %mul3A_69 = arith.constant 2000 : i32
    %mul3A_70 = arith.muli %arg0, %mul3A_69 : i32
    %get3A_71 = arith.index_cast %mul3A_70 : i32 to index
    %get3A_72 = arith.constant 0 : index
    %get3A_73 = vector.load %arg3[%get3A_71, %get3A_72] : memref<10000x1xi32, #tpu.memory_space<vmem>>, vector<2000x1xi32>
    %iota3A = tpu.iota {dimensions = array<i32: 1>} : vector<2000x64xi32>
    %eq3A_74 = vector.broadcast %get3A_73 : vector<2000x1xi32> to vector<2000x64xi32>
    %eq3A_75 = arith.cmpi eq, %eq3A_74, %iota3A : vector<2000x64xi32>
    %convert_element_type3A_76 = arith.extui %eq3A_75 : vector<2000x64xi1> to vector<2000x64xi32>
    %convert_element_type3A_77 = arith.sitofp %convert_element_type3A_76 : vector<2000x64xi32> to vector<2000x64xf32>
    %mul3A_78 = vector.broadcast %get3A_68 : vector<1x64xf32> to vector<2000x64xf32>
    %mul3A_79 = arith.mulf %convert_element_type3A_77, %mul3A_78 : vector<2000x64xf32>
    %reduce_sum3A_80 = arith.constant dense<0.000000e+00> : vector<2000xf32>
    %reduce_sum3A_81 = vector.multi_reduction <add>, %mul3A_79, %reduce_sum3A_80 [1] : vector<2000x64xf32> to vector<2000xf32>
    %broadcast_in_dim3A_82 = vector.shape_cast %reduce_sum3A_81 : vector<2000xf32> to vector<2000x1xf32>
    %mul3A_83 = vector.broadcast %broadcast_in_dim3A_82 : vector<2000x1xf32> to vector<2000x128xf32>
    %mul3A_84 = arith.mulf %add3A_65, %mul3A_83 : vector<2000x128xf32>
    %max3A_85 = arith.constant 0.000000e+00 : f32
    %max3A_86 = vector.broadcast %max3A_85 : f32 to vector<2000x128xf32>
    %max3A_87 = arith.maximumf %mul3A_84, %max3A_86 : vector<2000x128xf32>
    %add3A_88 = arith.addf %max3A_87, %get3A_7 : vector<2000x128xf32>
    %swap3A = arith.constant 0 : index
    %swap3A_89 = arith.constant 0 : index
    %swap3A_90 = vector.load %arg11[%swap3A, %swap3A_89] : memref<2000x128xf32, #tpu.memory_space<vmem>>, vector<2000x128xf32>
    tpu.vector_store %arg11[%swap3A, %swap3A_89], %add3A_88 {strides = array<i32>} : memref<2000x128xf32, #tpu.memory_space<vmem>>, vector<2000x128xf32>,
    return
  }
  func.func @transform_0(%arg0: i32) -> (i32, i32, i32) {
    %c0_i32 = arith.constant 0 : i32
    %c0_i32_0 = arith.constant 0 : i32
    %c0_i32_1 = arith.constant 0 : i32
    return %c0_i32, %arg0, %c0_i32_0 : i32, i32, i32
  }
  func.func @transform_1(%arg0: i32) -> (i32, i32) {
    %c0_i32 = arith.constant 0 : i32
    %c0_i32_0 = arith.constant 0 : i32
    return %arg0, %c0_i32 : i32, i32
  }
  func.func @transform_2(%arg0: i32) -> (i32, i32) {
    %c0_i32 = arith.constant 0 : i32
    %c0_i32_0 = arith.constant 0 : i32
    %c0_i32_1 = arith.constant 0 : i32
    return %c0_i32, %c0_i32_0 : i32, i32
  }
  func.func @transform_3(%arg0: i32) -> (i32, i32) {
    %c0_i32 = arith.constant 0 : i32
    %c0_i32_0 = arith.constant 0 : i32
    %c0_i32_1 = arith.constant 0 : i32
    return %c0_i32, %c0_i32_0 : i32, i32
  }
  func.func @transform_4(%arg0: i32) -> (i32, i32) {
    %c0_i32 = arith.constant 0 : i32
    %c0_i32_0 = arith.constant 0 : i32
    %c0_i32_1 = arith.constant 0 : i32
    return %c0_i32, %c0_i32_0 : i32, i32
  }
  func.func @transform_5(%arg0: i32) -> (i32, i32) {
    %c0_i32 = arith.constant 0 : i32
    %c0_i32_0 = arith.constant 0 : i32
    %c0_i32_1 = arith.constant 0 : i32
    return %c0_i32, %c0_i32_0 : i32, i32
  }
  func.func @transform_6(%arg0: i32) -> (i32, i32) {
    %c0_i32 = arith.constant 0 : i32
    %c0_i32_0 = arith.constant 0 : i32
    %c0_i32_1 = arith.constant 0 : i32
    return %c0_i32, %c0_i32_0 : i32, i32
  }
  func.func @transform_7(%arg0: i32) -> (i32, i32) {
    %c0_i32 = arith.constant 0 : i32
    %c0_i32_0 = arith.constant 0 : i32
    %c0_i32_1 = arith.constant 0 : i32
    return %c0_i32, %c0_i32_0 : i32, i32
  }
  func.func @transform_8(%arg0: i32) -> (i32, i32) {
    %c0_i32 = arith.constant 0 : i32
    %c0_i32_0 = arith.constant 0 : i32
    %c0_i32_1 = arith.constant 0 : i32
    return %c0_i32, %c0_i32_0 : i32, i32
  }
  func.func @transform_9(%arg0: i32) -> (i32, i32) {
    %c0_i32 = arith.constant 0 : i32
    %c0_i32_0 = arith.constant 0 : i32
    %c0_i32_1 = arith.constant 0 : i32
    return %c0_i32, %c0_i32_0 : i32, i32
  }
  func.func @transform_10(%arg0: i32) -> (i32, i32) {
    %c0_i32 = arith.constant 0 : i32
    %c0_i32_0 = arith.constant 0 : i32
    return %arg0, %c0_i32 : i32, i32
  }
}

</mosaic_0001>

<sc_bundles>
// kernel: kernel.4.cloned.1.call-start
scs
__scs_entry_jumppad:
0x0: {  	(pc) =	sbr.rel $0x88, $3  }
0x1: {  	(tag) =	ssettag $0x0;
	lr =	simm.s32 $0x1  }
0x2: {  	[smem:$0x3F96] =	sst lr;
	_ =	strace $0xD0000000  }
0x3: {  	_ = 	snop  }
0x4: {  	_ = 	snop  }
0x5: {  	_ = 	snop  }
0x6: {  	_ = 	snop  }
0x7: {  	_ = 	snop  }
__scs_overlays_trampoline_lowered:
0x8: {  	[smem:$0x3FA5] =	sst s0  }
0x9: {  	[smem:$0x3FA6] =	sst s1  }
0xa: {  	[smem:$0x3FA7] =	sst s2  }
0xb: {  	[smem:$0x3FA8] =	sst s3  }
0xc: {  	[smem:$0x3FA9] =	sst s4  }
0xd: {  	[smem:$0x3FAA] =	sst s5  }
0xe: {  	[smem:$0x3FAB] =	sst s6  }
0xf: {  	[smem:$0x3FAC] =	sst s7  }
0x10: {  	[smem:$0x3FAD] =	sst s8  }
0x11: {  	[smem:$0x3FAE] =	sst s9;
	s0 =	simm.s32 @!p0 $0x0  }
0x12: {  	s1 =	sld [smem:$0x3F94];
	s0 =	simm.s32 @p0 $0x1  }
0x13: {  	[smem:$0x3FAF] =	sst s0;
	s0 =	simm.s32 @!p1 $0x0  }
0x14: {  	s2 =	sld [smem:$0x3F93];
	s0 =	simm.s32 @p1 $0x1  }
0x15: {  	[smem:$0x3FB0] =	sst s0;
	s0 =	simm.s32 @!p2 $0x0  }
0x16: {  	s3 =	sld [smem:$0x3FDB];
	s0 =	simm.s32 @p2 $0x1  }
0x17: {  	s4 =	simm.s32 $0x1BF5;
	[smem:$0x3FB2] =	sst s0  }
0x18: {  	s0 =	sld [smem:$0x3F95];
	_ =	swait.ge [sflag:s4], $0x0  }
0x19: {  	s7 =	sld [smem:$0x3F96]  }
0x1a: {  	s8 =	sadd.s32 $0xFFFFE003, lr  }
0x1b: {  	s9 =	sadd.s32 $0xFFFFFEF7, lr;
	s5 =	simm.s32 $0xFFFFFFFF;
	p2 =	slt.u32 s8, $0xFFFFF086  }
0x1c: {  	p1 =	slt.u32 s9, $0xF7A;
	s5 =	simm.s32 @!p2 $0x0  }
0x1d: {  	s5 =	simm.s32 @p1 $0x1;
	p0 =	seq.s32 s7, s2  }
0x1e: {  	s7 =	smul.u32 @!p0 $0xF7A, s2;
	p2 =	seq.s32 @!p0 s5, $0x0  }
0x1f: {  	s9 =	smul.u32 $0xF7A, s1;
	s8 =	simm.s32 @!p0 $0x1BF5;
	p2 =	por !p2, p0  }
0x20: {  	[sflag:s8] =	ssyncset.s32 @!p0 $0xFFFFF086;
	s6 =	sadd.s32 @!p0 s3, s7;
	s7 =	simm.s32 @!p0 $0x108  }
0x21: {  	s3 =	sadd.s32 s3, s9;
	s6 =	sadd.s32 @!p0 $0x88, s6;
	s7 =	simm.s32 @p2 $0x1082  }
0x22: {  	[simem:s7], [sflag:s8] =	dma.local @!p0 [hbm:s6], $0xF7A  }
0x23: {  	s9 =	sor.u32 $0xD0000000, s2;
	s6 =	simm.s32 $0x108;
	_ =	swait.ge @!p0 [sflag:s8], $0x0  }
0x24: {  	s3 =	sadd.s32 $0x88, s3;
	s6 =	simm.s32 @!p1 $0x1082;
	[sflag:s4] =	ssyncset.s32 $0xFFFFF086  }
0x25: {  	[simem:s6], [sflag:s4] =	dma.local [hbm:s3], $0xF7A  }
0x26: {  	[smem:$0x3F96] =	sst s1;
	(tag) =	ssettag s2;
	_ =	strace s9  }
0x27: {  	s1 =	sld [smem:$0x3FA6]  }
0x28: {  	s2 =	sld [smem:$0x3FA7]  }
0x29: {  	s4 =	sld [smem:$0x3FA9]  }
0x2a: {  	p0 =	seq.s32 s5, $0x0;
	s5 =	sld [smem:$0x3FAA]  }
0x2b: {  	s6 =	sld [smem:$0x3FAB]  }
0x2c: {  	s7 =	sld [smem:$0x3FAC]  }
0x2d: {  	s3 =	simm.s32 $0x108;
	s8 =	sld [smem:$0x3FAD]  }
0x2e: {  	s3 =	simm.s32 @!p0 $0x1082;
	s9 =	sld [smem:$0x3FAE]  }
0x2f: {  	lr =	sadd.s32 s0, s3;
	s0 =	sld [smem:$0x3FA5]  }
0x30: {  	s3 =	sld [smem:$0x3FA8]  }
0x31: {  	[smem:$0x3FB1] =	sst s10  }
0x32: {  	s10 =	sld [smem:$0x3FAF];
	_ =	sdelay $0x3  }
0x33: {  	p0 =	seq.s32 s10, $0x1;
	s10 =	sld [smem:$0x3FB1];
	_ =	sdelay $0x3  }
0x34: {  	[smem:$0x3FB1] =	sst s10  }
0x35: {  	s10 =	sld [smem:$0x3FB0];
	_ =	sdelay $0x3  }
0x36: {  	p1 =	seq.s32 s10, $0x1;
	s10 =	sld [smem:$0x3FB1];
	_ =	sdelay $0x3  }
0x37: {  	[smem:$0x3FB1] =	sst s10  }
0x38: {  	s10 =	sld [smem:$0x3FB2]  }
0x39: {  	_ = 	snop;
	(pc) =	sbr.ind lr, $3  }
0x3a: {  	_ = 	snop  }
0x3b: {  	_ = 	snop  }
0x3c: {  	p2 =	seq.s32 s10, $0x1;
	s10 =	sld [smem:$0x3FB1]  }
0x3d: {  	_ =	shalt  }
0x3e: {  	_ =	shalt  }
0x3f: {  	_ =	shalt  }
0x40: {  	_ =	shalt  }
0x41: {  	_ =	shalt  }
0x42: {  	_ =	shalt  }
0x43: {  	_ =	shalt  }
0x44: {  	_ =	shalt  }
0x45: {  	_ =	shalt  }
0x46: {  	_ =	shalt  }
0x47: {  	_ =	shalt  }
0x48: {  	_ =	shalt  }
0x49: {  	_ =	shalt  }
0x4a: {  	_ =	shalt  }
0x4b: {  	_ =	shalt  }
0x4c: {  	_ =	shalt  }
0x4d: {  	_ =	shalt  }
0x4e: {  	_ =	shalt  }
0x4f: {  	_ =	shalt  }
0x50: {  	_ =	shalt  }
0x51: {  	_ =	shalt  }
0x52: {  	_ =	shalt  }
0x53: {  	_ =	shalt  }
0x54: {  	_ =	shalt  }
0x55: {  	_ =	shalt  }
0x56: {  	_ =	shalt  }
0x57: {  	_ =	shalt  }
0x58: {  	_ =	shalt  }
0x59: {  	_ =	shalt  }
0x5a: {  	_ =	shalt  }
0x5b: {  	_ =	shalt  }
0x5c: {  	_ =	shalt  }
0x5d: {  	_ =	shalt  }
0x5e: {  	_ =	shalt  }
0x5f: {  	_ =	shalt  }
0x60: {  	_ =	shalt  }
0x61: {  	_ =	shalt  }
0x62: {  	_ =	shalt  }
0x63: {  	_ =	shalt  }
0x64: {  	_ =	shalt  }
0x65: {  	_ =	shalt  }
0x66: {  	_ =	shalt  }
0x67: {  	_ =	shalt  }
0x68: {  	_ =	shalt  }
0x69: {  	_ =	shalt  }
0x6a: {  	_ =	shalt  }
0x6b: {  	_ =	shalt  }
0x6c: {  	_ =	shalt  }
0x6d: {  	_ =	shalt  }
0x6e: {  	_ =	shalt  }
0x6f: {  	_ =	shalt  }
0x70: {  	_ =	shalt  }
0x71: {  	_ =	shalt  }
0x72: {  	_ =	shalt  }
0x73: {  	_ =	shalt  }
0x74: {  	_ =	shalt  }
0x75: {  	_ =	shalt  }
0x76: {  	_ =	shalt  }
0x77: {  	_ =	shalt  }
0x78: {  	_ =	shalt  }
0x79: {  	_ =	shalt  }
0x7a: {  	_ =	shalt  }
0x7b: {  	_ =	shalt  }
0x7c: {  	_ =	shalt  }
0x7d: {  	_ =	shalt  }
0x7e: {  	_ =	shalt  }
0x7f: {  	_ =	shalt  }
0x80: {  	_ =	shalt  }
0x81: {  	_ =	shalt  }
0x82: {  	_ =	shalt  }
0x83: {  	_ =	shalt  }
0x84: {  	_ =	shalt  }
0x85: {  	_ =	shalt  }
0x86: {  	_ =	shalt  }
0x87: {  	_ =	shalt  }
.Lfunc_end0:
.L_simem_size_0:
called_computation_lowered:
.L_overlay_start_0:
0x88: {  	s2 =	sld [smem:$0x3FD9]  }
0x89: {  	s3 =	sld [smem:$0x3FFE];
	_ =	sdelay $0x1  }
0x8a: {  	s1 =	srdreg.scid  }
0x8b: {  	s0 =	sand.u32 $0x1, s1  }
0x8c: {  	s17 =	sshll.u32 s0, $0xA;
	s2 =	sadd.s32 s3, s2  }
0x8d: {  	s2 =	sadd.s32 s2, s17  }
0x8e: {  	[smem:$0x3FBD] =	sst s2  }
0x8f: {  	_ = 	snop  }
0x90: {  	s2 =	sld [smem:$0x3FC9]  }
0x91: {  	s18 =	sld [smem:$0x3FC8]  }
0x92: {  	s4 =	sld [smem:$0x3FC7];
	(tm) =	ssettm $0x1  }
0x93: {  	s5 =	sld [smem:$0x3FFB];
	_ =	sdelay $0x3  }
0x94: {  	_ =	strace s5  }
0x95: {  	s5 =	sld [smem:$0x3FFC];
	_ =	sdelay $0x3  }
0x96: {  	_ =	strace s5  }
0x97: {  	s5 =	sld [smem:$0x3FFD];
	_ =	sdelay $0x3  }
0x98: {  	_ =	strace s5  }
0x99: {  	_ =	strace $0x8FFFFFFF  }
0x9a: {  	s19 =	sld [smem:$0x3FDB];
	_ =	sdelay $0x1  }
0x9b: {  	s6 =	simm.s32 $_scs_section_size  }
0x9c: {  	s7 =	simm.s32 $_size__tile_overlayer_lowered;
	s8 =	simm.s32 $_tile_overlayer_lowered  }
0x9d: {  	s22 =	simm.s32 $0x1BFF;
	s21 =	sshll.u32 s8, $0x1;
	s5 =	sadd.s32 s6, s19  }
0x9e: {  	s9 =	simm.s32 $0x0;
	s20 =	sshll.u32 s7, $0x1;
	s7 =	sadd.s32 s21, s5  }
0x9f: {  	[timem:s9], [sflag:s22] =	dma.local [hbm:s7], s20  }
0xa0: {  	_ =	swait.ge [sflag:s22], s20  }
0xa1: {  	s6 =	ssub.s32 $0x0, s20;
	[sflag:s22] =	ssyncset.done $0x0  }
0xa2: {  	[sflag:s22] =	ssyncadd.s32 s6;
	_ =	sdelay $0x1  }
0xa3: {  	s23 =	simm.s32 $0x1B8B  }
0xa4: {  	_ =	swait.ge [sflag:s23], $0x1  }
0xa5: {  	[sflag:s23] =	ssyncset.done $0x0  }
0xa6: {  	s25 =	simm.s32 $0x1B8E;
	s24 =	sld [smem:$0x3FFE];
	[sflag:s23] =	ssyncadd.s32 $0xFFFFFFFF  }
0xa7: {  	s26 =	simm.s32 $execute0_lowered;
	[smem:$0x3FD2] =	sst s25  }
0xa8: {  	s7 =	sshll.u32 s26, $0x1;
	_ =	strace $0x80000046;
	[dreg:$0x1] =	wrdreg $0xFFFFFFFF  }
0xa9: {  	s28 =	simm.s32 $_size_execute0_lowered;
	s5 =	sadd.s32 s5, s7;
	[dreg:$0x0] =	wrdreg $0x0  }
0xaa: {  	s7 =	sshll.u32 s28, $0x1;
	[dreg:$0x2] =	wrdreg s5  }
0xab: {  	[dreg:$0x3] =	wrdreg s7  }
0xac: {  	[dreg:$0x4] =	wrdreg $0xC0  }
0xad: {  	_ =	task [dreg:s9], $0x5FFFF  }
0xae: {  	[dreg:$0x1] =	wrdreg $0xFFFFFFFF  }
0xaf: {  	[dreg:$0x0] =	wrdreg $0x60  }
0xb0: {  	[dreg:$0x2] =	wrdreg s18  }
0xb1: {  	[dreg:$0x3] =	wrdreg s4  }
0xb2: {  	[dreg:$0x4] =	wrdreg s2  }
0xb3: {  	[dreg:$0x5] =	wrdreg s24  }
0xb4: {  	[dreg:$0x6] =	wrdreg $0xC3000  }
0xb5: {  	[dreg:$0x7] =	wrdreg $0x9  }
0xb6: {  	_ =	task.clear_ibuf [dreg:s9], $0x8FFFF;
	_ =	strace $0x90000046  }
0xb7: {  	s29 =	simm.s32 $0x9;
	_ =	strace $0x80000048  }
0xb8: {  	_ =	swait.ge [sflag:s29], $0x1  }
0xb9: {  	[sflag:s29] =	ssyncadd.s32 $0xFFFFFFFF  }
0xba: {  	_ =	strace $0x90000048  }
0xbb: {  	_ =	sfence  }
0xbc: {  	s30 =	sld [smem:$0x0];
	_ =	sdelay $0x2  }
0xbd: {  	s31 =	sshll.u32 s1, $0xD;
	s1 =	sshrl.u32 s1, $0x2  }
0xbe: {  	s3 =	sand.u32 $0x4000, s31;
	s1 =	sadd.s32 s1, s30  }
0xbf: {  	s0 =	sor.u32 s3, s0;
	s1 =	sshll.u32 s1, $0x11  }
0xc0: {  	s0 =	sor.u32 s1, s0  }
0xc1: {  	s0 =	sadd.s32 $0x8F2B, s0  }
0xc2: {  	[sflag:s0] =	ssyncadd.remote.s32 $0x1  }
0xc3: {  	_ =	sfence.sel $0xFFFF  }
0xc4: {  	[dreg:$0x0] =	wrdreg $0xFFFFFFFF;
	(pc) =	sbr.abs _section_cstart, $3  }
0xc5: {  	[dreg:$0x1] =	wrdreg $0xFFFFFFFF  }
0xc6: {  	_ =	task.clear_ibuf [dreg:s9], $0x2FFFF;
	_ =	strace $0x9FFFFFFF  }
0xc7: {  	(tm) =	ssettm $0x7FFFFFFF  }
tec
execute0_lowered:
.L_overlay_start_1:
0x0: {  	(tag) =	ssettag $0x1  }
0x1: {  	s6 =	rddreg [dreg:$0x0]  }
0x2: {  	s0 =	rddreg [dreg:$0x1]  }
0x3: {  	s1 =	rddreg [dreg:$0x2]  }
0x4: {  	s7 =	rddreg [dreg:$0x3];
	s2 =	srdreg.scid  }
0x5: {  	s28 =	stileid.u32;
	s3 =	rddreg [dreg:$0x4];
	s4 =	simm.s32 $0x0  }
0x6: {  	s8 =	sand.u32 $0x1, s2;
	s24 =	sshll.u32 s28, $0x1;
	[smem:$0x7FF] =	sst s4  }
0x7: {  	p0 =	slt.u32 s28, $0x2;
	s16 =	smul.u32 $0x2800, s28;
	s19 =	sor.u32 $0x40, s28  }
0x8: {  	s2 =	sor.u32 s8, s24;
	s9 =	ssub.s32 $0x2, s8;
	s8 =	smul.u32 $0x138800, s8  }
0x9: {  	s26 =	sadd.s32 $0x10, s6;
	s23 =	sor.u32 $0x60, s28;
	s21 =	smul.u32 $0x2800, s19  }
0xa: {  	s7 =	sadd.s32 $0x1600, s7;
	_ =	strace $0x80000047;
	s5 =	smul.u32 $0x4E, s2  }
0xb: {  	s2 =	smul.u32 $0x4F, s2;
	s11 =	sshrl.u32 s9, $0x1;
	s16 =	sadd.s32 s8, s16  }
0xc: {  	s21 =	sadd.s32 s8, s21;
	s10 =	sadd.s32 $0x4, s5;
	s5 =	simm.s32 $0x4F  }
0xd: {  	s16 =	sshrl.u32 s16, $0x3;
	s10 =	smov.u32 @p0 s2;
	s2 =	ssub.s32 s9, s11  }
0xe: {  	s5 =	simm.s32 @!p0 $0x4E;
	s16 =	sadd.s32 s7, s16;
	s25 =	sshll.u32 s10, $0x5  }
0xf: {  	s12 =	sadd.s32 $0x1, s10;
	s13 =	sadd.s32 $0x2, s10;
	s18 =	sadd.s32 $0xFFFFFFFD, s5  }
0x10: {  	s22 =	sadd.s32 $0xFFFFFFFC, s5;
	s29 =	sadd.s32 s25, s26;
	s14 =	sshll.u32 s12, $0x5  }
0x11: {  	s15 =	sshll.u32 s13, $0x5;
	s9 =	sadd.s32 s6, s25;
	[dreg:$0x6] =	wrdreg s18  }
0x12: {  	s18 =	sor.u32 $0x50, s28;
	[dreg:$0x7] =	wrdreg s22;
	s25 =	smul.u32 $0x2800, s23  }
0x13: {  	s22 =	sor.u32 $0x70, s28;
	s23 =	smul.u32 $0xA000, s23;
	s30 =	sadd.s32 s14, s26  }
0x14: {  	s11 =	sadd.s32 s15, s26;
	s14 =	sadd.s32 s6, s14;
	s24 =	smul.u32 $0x2800, s18  }
0x15: {  	s6 =	sadd.s32 s6, s15;
	s26 =	smul.u32 $0x2800, s22;
	[dreg:$0x8] =	wrdreg s11  }
0x16: {  	s11 =	sor.u32 $0x10, s28;
	[dreg:$0x9] =	wrdreg s14;
	s14 =	sor.u32 $0x20, s28  }
0x17: {  	[dreg:$0xa] =	wrdreg s6;
	s6 =	sor.u32 $0x30, s28;
	s28 =	smul.u32 $0xA000, s28  }
0x18: {  	[dreg:$0xb] =	wrdreg s16;
	s2 =	smax.u32 s2, $0x1;
	s17 =	smul.u32 $0x2800, s11  }
0x19: {  	s10 =	sshll.u32 s10, $0xB;
	[dreg:$0x16] =	wrdreg s2;
	s31 =	smul.u32 $0x2800, s14  }
0x1a: {  	s2 =	simm.s32 $0x80;
	p0 =	sgt.u32 s22, $0x7C;
	s20 =	smul.u32 $0x2800, s6  }
0x1b: {  	s25 =	sadd.s32 s8, s25;
	s24 =	sadd.s32 s8, s24;
	s11 =	smul.u32 $0xA000, s11  }
0x1c: {  	s6 =	smul.u32 $0xA000, s6;
	s17 =	sadd.s32 s8, s17;
	s15 =	sadd.s32 s8, s31  }
0x1d: {  	s20 =	sadd.s32 s8, s20;
	s8 =	sadd.s32 s8, s26;
	s26 =	sshrl.u32 s21, $0x3  }
0x1e: {  	s31 =	sshrl.u32 s24, $0x3;
	s24 =	sshll.u32 s12, $0xB;
	s12 =	sshrl.u32 s11, $0x2  }
0x1f: {  	s11 =	sadd.s32 $0xFFFFFFFE, s5;
	s17 =	sshrl.u32 s17, $0x3;
	s15 =	sshrl.u32 s15, $0x3  }
0x20: {  	s20 =	sshrl.u32 s20, $0x3;
	s8 =	sshrl.u32 s8, $0x3;
	s16 =	sadd.s32 s7, s17  }
0x21: {  	s17 =	sshrl.u32 s25, $0x3;
	s25 =	sshll.u32 s13, $0xB;
	s13 =	smul.u32 $0xA000, s19  }
0x22: {  	s15 =	sadd.s32 s7, s15;
	s19 =	smul.u32 $0xA000, s18;
	[dreg:$0xc] =	wrdreg s16  }
0x23: {  	s18 =	simm.s32 $0x8300;
	[dreg:$0xd] =	wrdreg s15;
	s15 =	sadd.s32 s7, s20  }
0x24: {  	s16 =	sadd.s32 s7, s31;
	s20 =	sand.u32 $0x1FFFF800, s10;
	[dreg:$0xe] =	wrdreg s15  }
0x25: {  	s31 =	smul.u32 $0xA000, s14;
	s15 =	sadd.s32 s7, s26;
	[dreg:$0x10] =	wrdreg s16  }
0x26: {  	s21 =	sadd.s32 s0, s20;
	s26 =	sand.u32 $0x1FFFF800, s25;
	[dreg:$0xf] =	wrdreg s15  }
0x27: {  	s25 =	smul.u32 $0xA000, s22;
	s15 =	sadd.s32 s7, s17;
	[dreg:$0x13] =	wrdreg s21  }
0x28: {  	s22 =	simm.s32 $0x2;
	s7 =	sadd.s32 s7, s8;
	[dreg:$0x11] =	wrdreg s15  }
0x29: {  	s17 =	sshrl.u32 s31, $0x2;
	[dreg:$0x12] =	wrdreg s7;
	s15 =	sadd.s32 s12, s3  }
0x2a: {  	s21 =	sshrl.u32 s6, $0x2;
	s16 =	sadd.s32 s17, s3;
	[dreg:$0x17] =	wrdreg s15  }
0x2b: {  	s8 =	sshrl.u32 s13, $0x2;
	s17 =	sadd.s32 s21, s3;
	[dreg:$0x18] =	wrdreg s16  }
0x2c: {  	s7 =	sand.u32 $0x1FFFF800, s24;
	s20 =	sadd.s32 s8, s3;
	[dreg:$0x19] =	wrdreg s17  }
0x2d: {  	s31 =	sshrl.u32 s25, $0x2;
	s7 =	sadd.s32 s0, s7;
	[dreg:$0x1a] =	wrdreg s20  }
0x2e: {  	s21 =	simm.s32 $0x1;
	[dreg:$0x14] =	wrdreg s7;
	s7 =	sadd.s32 s0, s26  }
0x2f: {  	s0 =	sadd.s32 s10, s0;
	s10 =	sshrl.u32 s28, $0x2;
	s26 =	sshrl.u32 s19, $0x2  }
0x30: {  	s28 =	sshrl.u32 s23, $0x2;
	[dreg:$0x15] =	wrdreg s7;
	s24 =	sadd.s32 s26, s3  }
0x31: {  	s19 =	simm.s32 $0x7;
	s25 =	sadd.s32 s28, s3;
	[dreg:$0x1b] =	wrdreg s24  }
0x32: {  	s23 =	simm.s32 $0x0;
	s26 =	sadd.s32 s31, s3;
	[dreg:$0x1c] =	wrdreg s25  }
0x33: {  	s14 =	sadd.s32 s10, s3;
	s6 =	sadd.s32 $0x2800, s0;
	[dreg:$0x1d] =	wrdreg s26  }
0x34: {  	v0 =	vimm.f32 $0.0e+00;
	s10 =	sadd.s32 $0xFFFFFFFF, s5;
	s7 =	sadd.s32 $0xB0, s9;
	[dreg:$0x1e] =	wrdreg s14  }
.LBB2_1:
0x35: {  	[tilespmem:s2], [sflag:$0x1] =	stream.linear.gather [hbm4b:s29+s4], $0x80, $0x38;
	[tilespmem:$0x1FB80] =	vst v63  }
0x36: {  	s0 =	simm.s32 $0x180;
	s2 =	rddreg [dreg:$0x8]  }
0x37: {  	[tilespmem:s0], [sflag:$0x2] =	stream.linear.gather [hbm4b:s30+s4], $0x80, $0x38;
	[tilespmem:$0x1FB80] =	vst v63  }
0x38: {  	s8 =	simm.s32 $0x280;
	s12 =	rddreg [dreg:$0x13]  }
0x39: {  	[tilespmem:s8], [sflag:$0x3] =	stream.linear.gather [hbm4b:s2+s4], $0x80, $0x38;
	[tilespmem:$0x1FB80] =	vst v63  }
0x3a: {  	s13 =	simm.s32 $0x300;
	s28 =	rddreg [dreg:$0x14]  }
0x3b: {  	[tilespmem:s13], [sflag:$0x4] =	stream.linear.gather [hbm4b:s12+s4], $0x4000, $0x38;
	[tilespmem:$0x1FB80] =	vst v63  }
0x3c: {  	s31 =	simm.s32 $0x4300;
	s0 =	simm.s32 $0x0;
	s8 =	simm.s32 $0x200  }
0x3d: {  	[tilespmem:s31], [sflag:$0x5] =	stream.linear.gather [hbm4b:s28+s4], $0x4000, $0x38;
	[tilespmem:$0x1FB80] =	vst v63  }
.LBB2_2:
0x3e: {  	p1 =	sne.s32 s8, $0x9E00;
	[tilespmem:s0+$0x8370] =	vst v0  }
0x3f: {  	[tilespmem:s0+$0x8300] =	vst v0  }
0x40: {  	[tilespmem:s0+$0x8310] =	vst v0  }
.Ltmp0:
0x41: {  	[tilespmem:s0+$0x8320] =	vst v0;
	(pc) =	sbr.rel @p1 .LBB2_2-.Ltmp0, $4  }
0x42: {  	[tilespmem:s0+$0x8330] =	vst v0  }
0x43: {  	[tilespmem:s0+$0x8340] =	vst v0  }
0x44: {  	[tilespmem:s0+$0x8350] =	vst v0  }
0x45: {  	[tilespmem:s0+$0x8360] =	vst v0;
	s0 =	sshra.s32 s8, $0x2;
	s8 =	sadd.s32 $0x200, s8  }
0x46: {  	[tilespmem:s0+$0x8370] =	vst v0  }
0x47: {  	[tilespmem:s0+$0x8300] =	vst v0  }
0x48: {  	[tilespmem:s0+$0x8310] =	vst v0  }
0x49: {  	[tilespmem:s0+$0x8320] =	vst v0  }
0x4a: {  	[tilespmem:s0+$0x8330] =	vst v0  }
0x4b: {  	[tilespmem:s0+$0x8340] =	vst v0  }
0x4c: {  	[tilespmem:s0+$0x8350] =	vst v0  }
0x4d: {  	[tilespmem:s0+$0x8360] =	vst v0  }
0x4e: {  	[spmem:s14] =	stream.linear.scatter [tilespmem:s18], [sflag:$0x7], $0x2800, $0x38;
	[tilespmem:$0x1FB80] =	vst v63  }
0x4f: {  	_ =	swait.ge [sflag:s19], $0x2800  }
0x50: {  	[sflag:s19] =	ssyncset.done $0x0  }
0x51: {  	[sflag:s19] =	ssyncadd.s32 $0xFFFFD800  }
0x52: {  	[spmem:s15] =	stream.linear.scatter [tilespmem:s18], [sflag:$0x7], $0x2800, $0x38;
	[tilespmem:$0x1FB80] =	vst v63  }
0x53: {  	_ =	swait.ge [sflag:s19], $0x2800  }
0x54: {  	[sflag:s19] =	ssyncset.done $0x0  }
0x55: {  	[sflag:s19] =	ssyncadd.s32 $0xFFFFD800  }
0x56: {  	[spmem:s16] =	stream.linear.scatter [tilespmem:s18], [sflag:$0x7], $0x2800, $0x38;
	[tilespmem:$0x1FB80] =	vst v63  }
0x57: {  	_ =	swait.ge [sflag:s19], $0x2800  }
0x58: {  	[sflag:s19] =	ssyncset.done $0x0  }
0x59: {  	[sflag:s19] =	ssyncadd.s32 $0xFFFFD800  }
0x5a: {  	[spmem:s17] =	stream.linear.scatter [tilespmem:s18], [sflag:$0x7], $0x2800, $0x38;
	[tilespmem:$0x1FB80] =	vst v63  }
0x5b: {  	_ =	swait.ge [sflag:s19], $0x2800  }
0x5c: {  	[sflag:s19] =	ssyncset.done $0x0  }
0x5d: {  	[sflag:s19] =	ssyncadd.s32 $0xFFFFD800  }
0x5e: {  	[spmem:s20] =	stream.linear.scatter [tilespmem:s18], [sflag:$0x7], $0x2800, $0x38;
	[tilespmem:$0x1FB80] =	vst v63  }
0x5f: {  	_ =	swait.ge [sflag:s19], $0x2800  }
0x60: {  	[sflag:s19] =	ssyncset.done $0x0  }
0x61: {  	[sflag:s19] =	ssyncadd.s32 $0xFFFFD800  }
0x62: {  	[spmem:s24] =	stream.linear.scatter [tilespmem:s18], [sflag:$0x7], $0x2800, $0x38;
	[tilespmem:$0x1FB80] =	vst v63  }
0x63: {  	_ =	swait.ge [sflag:s19], $0x2800  }
0x64: {  	[sflag:s19] =	ssyncset.done $0x0  }
0x65: {  	[sflag:s19] =	ssyncadd.s32 $0xFFFFD800  }
0x66: {  	[spmem:s25] =	stream.linear.scatter [tilespmem:s18], [sflag:$0x7], $0x2800, $0x38;
	[tilespmem:$0x1FB80] =	vst v63  }
0x67: {  	_ =	swait.ge [sflag:s19], $0x2800  }
0x68: {  	[sflag:s19] =	ssyncset.done $0x0  }
0x69: {  	s0 =	simm.s32 @!p0 $0x8300;
	[sflag:s19] =	ssyncadd.s32 $0xFFFFD800  }
0x6a: {  	[spmem:s26] =	stream.linear.scatter @!p0 [tilespmem:s0], [sflag:$0x7], $0x2800, $0x38;
	[tilespmem:$0x1FB80] =	vst v63  }
0x6b: {  	s0 =	simm.s32 @!p0 $0x7  }
0x6c: {  	_ =	swait.ge @!p0 [sflag:s0], $0x2800  }
0x6d: {  	[sflag:s0] =	ssyncset.done @!p0 $0x0  }
0x6e: {  	[sflag:s0] =	ssyncadd.s32 @!p0 $0xFFFFD800  }
0x6f: {  	p1 =	sle.u32 s5, $0x0;
	[bflag:$0x0] =	sbarrier.arrive $0xFFFF  }
0x70: {  	s0 =	simm.s32 @!p1 $0x4;
	s31 =	rddreg [dreg:$0x15]  }
0x71: {  	[tilespmem:s18], [sflag:$0x6] =	stream.linear.gather [hbm4b:s31+s4], $0x4000, $0x38;
	[tilespmem:$0x1FB80] =	vst v63  }
0x72: {  	_ =	swait.ge @!p1 [sflag:s0], $0x4000  }
0x73: {  	[sflag:s0] =	ssyncset.done @!p1 $0x0  }
0x74: {  	s8 =	simm.s32 @!p1 $0x1;
	[sflag:s0] =	ssyncadd.s32 @!p1 $0xFFFFC000  }
0x75: {  	_ =	swait.ge @!p1 [sflag:s8], $0x80  }
0x76: {  	p2 =	sle.u32 @!p1 s5, $0x3;
	s12 =	simm.s32 @!p1 $0x80;
	[sflag:s8] =	ssyncset.done @!p1 $0x0  }
0x77: {  	s14 =	simm.s32 @!p1 $0x300;
	s0 =	simm.s32 @!p1 $0x7;
	[sflag:s8] =	ssyncadd.s32 @!p1 $0xFFFFFF80  }
0x78: {  	[spmem:s3] =	stream.indirect.scatter.add.f32 @!p1 [tilespmem:s14], [sflag:$0x7], $0x80, s12, s12, $0xb8;
	[tilespmem:$0x1FB80] =	vst v63  }
0x79: {  	p2 =	por p2, p1;
	_ =	swait.ge @!p1 [sflag:s0], $0x4000  }
0x7a: {  	s8 =	sadd.s32 @!p2 $0xFFFFFFC0, s7;
	[sflag:s0] =	ssyncset.done @!p1 $0x0  }
0x7b: {  	s12 =	simm.s32 @!p2 $0x0;
	[sflag:s0] =	ssyncadd.s32 @!p1 $0xFFFFC000;
	s0 =	simm.s32 @!p2 $0x80  }
0x7c: {  	[tilespmem:s0], [sflag:$0x1] =	stream.linear.gather @!p2 [hbm4b:s8+s12], $0x80, $0x38;
	[tilespmem:$0x1FB80] =	vst v63  }
0x7d: {  	p1 =	sle.u32 s10, $0x0;
	s0 =	sadd.s32 @!p2 $0xFFFFF000, s6;
	s8 =	simm.s32 @!p2 $0x300  }
0x7e: {  	[tilespmem:s8], [sflag:$0x4] =	stream.linear.gather @!p2 [hbm4b:s0+s12], $0x4000, $0x38;
	[tilespmem:$0x1FB80] =	vst v63  }
0x7f: {  	s0 =	simm.s32 @!p1 $0x5  }
0x80: {  	_ =	swait.ge @!p1 [sflag:s0], $0x4000  }
0x81: {  	[sflag:s0] =	ssyncset.done @!p1 $0x0  }
0x82: {  	s8 =	simm.s32 @!p1 $0x2;
	[sflag:s0] =	ssyncadd.s32 @!p1 $0xFFFFC000  }
0x83: {  	s14 =	simm.s32 @!p1 $0x180;
	_ =	swait.ge @!p1 [sflag:s8], $0x80  }
0x84: {  	p2 =	sle.u32 @!p1 s5, $0x4;
	s12 =	simm.s32 @!p1 $0x80;
	[sflag:s8] =	ssyncset.done @!p1 $0x0  }
0x85: {  	s0 =	simm.s32 @!p1 $0x4300;
	[sflag:s8] =	ssyncadd.s32 @!p1 $0xFFFFFF80;
	s8 =	simm.s32 @!p1 $0x7  }
0x86: {  	[spmem:s3] =	stream.indirect.scatter.add.f32 @!p1 [tilespmem:s0], [sflag:$0x7], $0x80, s14, s12, $0xb8;
	[tilespmem:$0x1FB80] =	vst v63  }
0x87: {  	p3 =	por p2, p1;
	_ =	swait.ge @!p1 [sflag:s8], $0x4000  }
0x88: {  	p2 =	sle.u32 s11, $0x0;
	s0 =	sadd.s32 @!p3 $0xFFFFFFE0, s7;
	[sflag:s8] =	ssyncset.done @!p1 $0x0  }
0x89: {  	s12 =	simm.s32 @!p3 $0x180;
	[sflag:s8] =	ssyncadd.s32 @!p1 $0xFFFFC000;
	s8 =	simm.s32 @!p3 $0x0  }
0x8a: {  	[tilespmem:s12], [sflag:$0x2] =	stream.linear.gather @!p3 [hbm4b:s0+s8], $0x80, $0x38;
	[tilespmem:$0x1FB80] =	vst v63  }
0x8b: {  	s14 =	simm.s32 @!p2 $0x6;
	s0 =	simm.s32 @!p3 $0x4300;
	s12 =	sadd.s32 @!p3 $0xFFFFF800, s6  }
0x8c: {  	[tilespmem:s0], [sflag:$0x5] =	stream.linear.gather @!p3 [hbm4b:s12+s8], $0x4000, $0x38;
	[tilespmem:$0x1FB80] =	vst v63  }
0x8d: {  	_ =	swait.ge @!p2 [sflag:s14], $0x4000  }
0x8e: {  	s15 =	sadd.s32 $0x1800, s6;
	[sflag:s14] =	ssyncset.done @!p2 $0x0  }
0x8f: {  	s16 =	simm.s32 $0x8;
	s0 =	simm.s32 @!p2 $0x3;
	[sflag:s14] =	ssyncadd.s32 @!p2 $0xFFFFC000  }
0x90: {  	s17 =	simm.s32 $0x3;
	s20 =	simm.s32 $0xB;
	_ =	swait.ge @!p2 [sflag:s0], $0x80  }
0x91: {  	p1 =	sle.u32 @!p2 s5, $0x5;
	s8 =	simm.s32 @!p2 $0x8300;
	[sflag:s0] =	ssyncset.done @!p2 $0x0  }
0x92: {  	s12 =	simm.s32 @!p2 $0x80;
	s14 =	simm.s32 @!p2 $0x280;
	[sflag:s0] =	ssyncadd.s32 @!p2 $0xFFFFFF80  }
0x93: {  	[spmem:s3] =	stream.indirect.scatter.add.f32 @!p2 [tilespmem:s8], [sflag:$0x7], $0x80, s14, s12, $0xb8;
	[tilespmem:$0x1FB80] =	vst v63  }
0x94: {  	p4 =	por p1, p2;
	s0 =	smov.u32 s6;
	s8 =	simm.s32 @!p2 $0x7  }
0x95: {  	s14 =	sadd.s32 $0x60, s7;
	s12 =	smov.u32 s7;
	_ =	swait.ge @!p2 [sflag:s8], $0x4000  }
.LBB2_4:
0x96: {  	p3 =	sge.u32 s17, s5;
	[sflag:s8] =	ssyncset.done @!p2 $0x0;
	s24 =	simm.s32 @!p4 $0x0  }
0x97: {  	s25 =	sadd.s32 @!p3 $0xFFFFFFFE, s16;
	[sflag:s8] =	ssyncadd.s32 @!p2 $0xFFFFC000;
	s8 =	simm.s32 @!p4 $0x280  }
0x98: {  	[tilespmem:s8], [sflag:$0x3] =	stream.linear.gather @!p4 [hbm4b:s12+s24], $0x80, $0x38;
	[tilespmem:$0x1FB80] =	vst v63  }
0x99: {  	s12 =	simm.s32 @!p3 $0x4;
	p2 =	sge.u32 @!p3 s25, s5;
	s8 =	simm.s32 @!p4 $0x8300  }
0x9a: {  	[tilespmem:s8], [sflag:$0x6] =	stream.linear.gather @!p4 [hbm4b:s0+s24], $0x4000, $0x38;
	[tilespmem:$0x1FB80] =	vst v63  }
0x9b: {  	s8 =	smov.u32 s20;
	s20 =	sadd.s32 $0x3, s20;
	_ =	swait.ge @!p3 [sflag:s12], $0x4000  }
0x9c: {  	s24 =	simm.s32 @!p3 $0x1;
	p1 =	sne.s32 s20, $0x56;
	[sflag:s12] =	ssyncset.done @!p3 $0x0  }
0x9d: {  	s0 =	smov.u32 s15;
	[sflag:s12] =	ssyncadd.s32 @!p3 $0xFFFFC000;
	s12 =	smov.u32 s14  }
0x9e: {  	s25 =	simm.s32 @!p3 $0x7;
	_ =	swait.ge @!p3 [sflag:s24], $0x80  }
0x9f: {  	s26 =	simm.s32 @!p3 $0x80;
	s28 =	simm.s32 @!p3 $0x300;
	[sflag:s24] =	ssyncset.done @!p3 $0x0  }
0xa0: {  	[sflag:s24] =	ssyncadd.s32 @!p3 $0xFFFFFF80  }
0xa1: {  	[spmem:s3] =	stream.indirect.scatter.add.f32 @!p3 [tilespmem:s28], [sflag:$0x7], $0x80, s26, s26, $0xb8;
	[tilespmem:$0x1FB80] =	vst v63  }
0xa2: {  	p2 =	por p2, p3;
	_ =	swait.ge @!p3 [sflag:s25], $0x4000  }
0xa3: {  	s24 =	sadd.s32 @!p2 $0xFFFFFFC0, s14;
	s26 =	simm.s32 @!p2 $0x0;
	[sflag:s25] =	ssyncset.done @!p3 $0x0  }
0xa4: {  	[sflag:s25] =	ssyncadd.s32 @!p3 $0xFFFFC000;
	s25 =	simm.s32 @!p2 $0x80  }
0xa5: {  	[tilespmem:s25], [sflag:$0x1] =	stream.linear.gather @!p2 [hbm4b:s24+s26], $0x80, $0x38;
	[tilespmem:$0x1FB80] =	vst v63  }
0xa6: {  	p3 =	sge.u32 s17, s10;
	s24 =	sadd.s32 @!p2 $0xFFFFF000, s15;
	s25 =	simm.s32 @!p2 $0x300  }
0xa7: {  	[tilespmem:s25], [sflag:$0x4] =	stream.linear.gather @!p2 [hbm4b:s24+s26], $0x4000, $0x38;
	[tilespmem:$0x1FB80] =	vst v63  }
0xa8: {  	s24 =	simm.s32 @!p3 $0x5;
	s25 =	sadd.s32 @!p3 $0xFFFFFFFF, s16  }
0xa9: {  	p2 =	sge.u32 @!p3 s25, s5;
	_ =	swait.ge @!p3 [sflag:s24], $0x4000  }
0xaa: {  	s25 =	simm.s32 @!p3 $0x2;
	[sflag:s24] =	ssyncset.done @!p3 $0x0  }
0xab: {  	[sflag:s24] =	ssyncadd.s32 @!p3 $0xFFFFC000  }
0xac: {  	s24 =	simm.s32 @!p3 $0x4300;
	_ =	swait.ge @!p3 [sflag:s25], $0x80  }
0xad: {  	s28 =	simm.s32 @!p3 $0x180;
	s26 =	simm.s32 @!p3 $0x80;
	[sflag:s25] =	ssyncset.done @!p3 $0x0  }
0xae: {  	[sflag:s25] =	ssyncadd.s32 @!p3 $0xFFFFFF80;
	s25 =	simm.s32 @!p3 $0x7  }
0xaf: {  	[spmem:s3] =	stream.indirect.scatter.add.f32 @!p3 [tilespmem:s24], [sflag:$0x7], $0x80, s28, s26, $0xb8;
	[tilespmem:$0x1FB80] =	vst v63  }
0xb0: {  	p4 =	por p2, p3;
	p2 =	sge.u32 s17, s11;
	_ =	swait.ge @!p3 [sflag:s25], $0x4000  }
0xb1: {  	s17 =	sadd.s32 @!p4 $0xFFFFFFE0, s14;
	s24 =	simm.s32 @!p4 $0x4300;
	[sflag:s25] =	ssyncset.done @!p3 $0x0  }
0xb2: {  	s26 =	simm.s32 @!p4 $0x180;
	[sflag:s25] =	ssyncadd.s32 @!p3 $0xFFFFC000;
	s25 =	simm.s32 @!p4 $0x0  }
0xb3: {  	[tilespmem:s26], [sflag:$0x2] =	stream.linear.gather @!p4 [hbm4b:s17+s25], $0x80, $0x38;
	[tilespmem:$0x1FB80] =	vst v63  }
0xb4: {  	p3 =	sge.u32 @!p2 s16, s5;
	s17 =	sadd.s32 @!p4 $0xFFFFF800, s15;
	s26 =	simm.s32 @!p2 $0x6  }
0xb5: {  	[tilespmem:s24], [sflag:$0x5] =	stream.linear.gather @!p4 [hbm4b:s17+s25], $0x4000, $0x38;
	[tilespmem:$0x1FB80] =	vst v63  }
0xb6: {  	s16 =	smov.u32 s8;
	_ =	swait.ge @!p2 [sflag:s26], $0x4000  }
0xb7: {  	s8 =	simm.s32 @!p2 $0x3;
	[sflag:s26] =	ssyncset.done @!p2 $0x0  }
0xb8: {  	s14 =	sadd.s32 $0x60, s14;
	[sflag:s26] =	ssyncadd.s32 @!p2 $0xFFFFC000  }
.Ltmp1:
0xb9: {  	s17 =	simm.s32 @!p2 $0x8300;
	_ =	swait.ge @!p2 [sflag:s8], $0x80;
	(pc) =	sbr.rel @p1 .LBB2_4-.Ltmp1, $4  }
0xba: {  	s24 =	simm.s32 @!p2 $0x80;
	s25 =	simm.s32 @!p2 $0x280;
	[sflag:s8] =	ssyncset.done @!p2 $0x0  }
0xbb: {  	s15 =	sadd.s32 $0x1800, s15;
	[sflag:s8] =	ssyncadd.s32 @!p2 $0xFFFFFF80;
	s8 =	simm.s32 @!p2 $0x7  }
0xbc: {  	[spmem:s3] =	stream.indirect.scatter.add.f32 @!p2 [tilespmem:s17], [sflag:$0x7], $0x80, s25, s24, $0xb8;
	[tilespmem:$0x1FB80] =	vst v63  }
0xbd: {  	p4 =	por p3, p2;
	s17 =	sadd.s32 $0xFFFFFFFB, s16;
	_ =	swait.ge @!p2 [sflag:s8], $0x4000  }
0xbe: {  	[sflag:s8] =	ssyncset.done @!p2 $0x0  }
0xbf: {  	s20 =	simm.s32 @!p4 $0x0;
	[sflag:s8] =	ssyncadd.s32 @!p2 $0xFFFFC000;
	s8 =	simm.s32 @!p4 $0x280  }
0xc0: {  	[tilespmem:s8], [sflag:$0x3] =	stream.linear.gather @!p4 [hbm4b:s12+s20], $0x80, $0x38;
	[tilespmem:$0x1FB80] =	vst v63  }
0xc1: {  	p1 =	sge.u32 s17, s5;
	s8 =	simm.s32 @!p4 $0x8300  }
0xc2: {  	[tilespmem:s8], [sflag:$0x6] =	stream.linear.gather @!p4 [hbm4b:s0+s20], $0x4000, $0x38;
	[tilespmem:$0x1FB80] =	vst v63  }
0xc3: {  	s0 =	simm.s32 @!p1 $0x4  }
0xc4: {  	_ =	swait.ge @!p1 [sflag:s0], $0x4000  }
0xc5: {  	[sflag:s0] =	ssyncset.done @!p1 $0x0  }
0xc6: {  	s8 =	simm.s32 @!p1 $0x1;
	[sflag:s0] =	ssyncadd.s32 @!p1 $0xFFFFC000  }
0xc7: {  	s0 =	sadd.s32 @!p1 $0xFFFFFFFE, s16;
	_ =	swait.ge @!p1 [sflag:s8], $0x80  }
0xc8: {  	s12 =	simm.s32 @!p1 $0x80;
	p2 =	sge.u32 @!p1 s0, s5;
	[sflag:s8] =	ssyncset.done @!p1 $0x0  }
0xc9: {  	s0 =	simm.s32 @!p1 $0x7;
	[sflag:s8] =	ssyncadd.s32 @!p1 $0xFFFFFF80;
	s8 =	simm.s32 @!p1 $0x300  }
0xca: {  	[spmem:s3] =	stream.indirect.scatter.add.f32 @!p1 [tilespmem:s8], [sflag:$0x7], $0x80, s12, s12, $0xb8;
	[tilespmem:$0x1FB80] =	vst v63  }
0xcb: {  	p2 =	por p2, p1;
	_ =	swait.ge @!p1 [sflag:s0], $0x4000  }
0xcc: {  	s8 =	sadd.s32 @!p2 $0xFFFFFFC0, s14;
	[sflag:s0] =	ssyncset.done @!p1 $0x0  }
0xcd: {  	s12 =	simm.s32 @!p2 $0x0;
	[sflag:s0] =	ssyncadd.s32 @!p1 $0xFFFFC000;
	s0 =	simm.s32 @!p2 $0x80  }
0xce: {  	[tilespmem:s0], [sflag:$0x1] =	stream.linear.gather @!p2 [hbm4b:s8+s12], $0x80, $0x38;
	[tilespmem:$0x1FB80] =	vst v63  }
0xcf: {  	p1 =	sge.u32 s17, s10;
	s0 =	sadd.s32 @!p2 $0xFFFFF000, s15;
	s8 =	simm.s32 @!p2 $0x300  }
0xd0: {  	[tilespmem:s8], [sflag:$0x4] =	stream.linear.gather @!p2 [hbm4b:s0+s12], $0x4000, $0x38;
	[tilespmem:$0x1FB80] =	vst v63  }
0xd1: {  	s0 =	simm.s32 @!p1 $0x5  }
0xd2: {  	_ =	swait.ge @!p1 [sflag:s0], $0x4000  }
0xd3: {  	[sflag:s0] =	ssyncset.done @!p1 $0x0  }
0xd4: {  	s8 =	simm.s32 @!p1 $0x2;
	[sflag:s0] =	ssyncadd.s32 @!p1 $0xFFFFC000  }
0xd5: {  	_ =	swait.ge @!p1 [sflag:s8], $0x80  }
0xd6: {  	s12 =	simm.s32 @!p1 $0x80;
	[sflag:s8] =	ssyncset.done @!p1 $0x0  }
0xd7: {  	s0 =	simm.s32 @!p1 $0x4300;
	[sflag:s8] =	ssyncadd.s32 @!p1 $0xFFFFFF80;
	s8 =	simm.s32 @!p1 $0x180  }
0xd8: {  	[spmem:s3] =	stream.indirect.scatter.add.f32 @!p1 [tilespmem:s0], [sflag:$0x7], $0x80, s8, s12, $0xb8;
	[tilespmem:$0x1FB80] =	vst v63  }
0xd9: {  	s0 =	sadd.s32 @!p1 $0xFFFFFFFF, s16  }
0xda: {  	p2 =	sge.u32 @!p1 s0, s5;
	s0 =	simm.s32 @!p1 $0x7  }
0xdb: {  	_ =	swait.ge @!p1 [sflag:s0], $0x4000;
	p2 =	por p2, p1  }
0xdc: {  	[sflag:s0] =	ssyncset.done @!p1 $0x0;
	s8 =	sadd.s32 @!p2 $0xFFFFFFE0, s14  }
0xdd: {  	s12 =	simm.s32 @!p2 $0x180;
	[sflag:s0] =	ssyncadd.s32 @!p1 $0xFFFFC000;
	s0 =	simm.s32 @!p2 $0x0  }
0xde: {  	[tilespmem:s12], [sflag:$0x2] =	stream.linear.gather @!p2 [hbm4b:s8+s0], $0x80, $0x38;
	[tilespmem:$0x1FB80] =	vst v63  }
0xdf: {  	p1 =	sge.u32 s17, s11;
	s8 =	simm.s32 @!p2 $0x4300;
	s12 =	sadd.s32 @!p2 $0xFFFFF800, s15  }
0xe0: {  	[tilespmem:s8], [sflag:$0x5] =	stream.linear.gather @!p2 [hbm4b:s12+s0], $0x4000, $0x38;
	[tilespmem:$0x1FB80] =	vst v63  }
0xe1: {  	s0 =	simm.s32 @!p1 $0x6  }
0xe2: {  	_ =	swait.ge @!p1 [sflag:s0], $0x4000  }
0xe3: {  	[sflag:s0] =	ssyncset.done @!p1 $0x0  }
0xe4: {  	s8 =	simm.s32 @!p1 $0x3;
	[sflag:s0] =	ssyncadd.s32 @!p1 $0xFFFFC000  }
0xe5: {  	_ =	swait.ge @!p1 [sflag:s8], $0x80  }
0xe6: {  	s12 =	simm.s32 @!p1 $0x80;
	[sflag:s8] =	ssyncset.done @!p1 $0x0  }
0xe7: {  	s0 =	simm.s32 @!p1 $0x8300;
	[sflag:s8] =	ssyncadd.s32 @!p1 $0xFFFFFF80;
	s8 =	simm.s32 @!p1 $0x280  }
0xe8: {  	[spmem:s3] =	stream.indirect.scatter.add.f32 @!p1 [tilespmem:s0], [sflag:$0x7], $0x80, s8, s12, $0xb8;
	[tilespmem:$0x1FB80] =	vst v63  }
0xe9: {  	s0 =	simm.s32 @!p1 $0x7  }
0xea: {  	p2 =	sge.u32 @!p1 s16, s5;
	_ =	swait.ge @!p1 [sflag:s0], $0x4000  }
0xeb: {  	p2 =	por p2, p1;
	[sflag:s0] =	ssyncset.done @!p1 $0x0  }
0xec: {  	s8 =	simm.s32 @!p2 $0x0;
	[sflag:s0] =	ssyncadd.s32 @!p1 $0xFFFFC000;
	s0 =	simm.s32 @!p2 $0x280  }
0xed: {  	[tilespmem:s0], [sflag:$0x3] =	stream.linear.gather @!p2 [hbm4b:s14+s8], $0x80, $0x38;
	[tilespmem:$0x1FB80] =	vst v63  }
0xee: {  	s0 =	simm.s32 @!p2 $0x8300  }
0xef: {  	[tilespmem:s0], [sflag:$0x6] =	stream.linear.gather @!p2 [hbm4b:s15+s8], $0x4000, $0x38;
	[tilespmem:$0x1FB80] =	vst v63  }
0xf0: {  	s15 =	simm.s32 $0x0  }
0xf1: {  	[tilespmem:s15], [sflag:$0x1] =	stream.linear.gather [hbm4b:s9+s15], $0x80, $0x38;
	[tilespmem:$0x1FB80] =	vst v63  }
0xf2: {  	s16 =	simm.s32 $0x80  }
0xf3: {  	[tilespmem:s16], [sflag:$0x1] =	stream.linear.gather [hbm4b:s29+s15], $0x80, $0x38;
	[tilespmem:$0x1FB80] =	vst v63  }
0xf4: {  	s20 =	simm.s32 $0x100;
	s17 =	rddreg [dreg:$0x9]  }
0xf5: {  	[tilespmem:s20], [sflag:$0x2] =	stream.linear.gather [hbm4b:s17+s15], $0x80, $0x38;
	[tilespmem:$0x1FB80] =	vst v63  }
0xf6: {  	s2 =	simm.s32 $0x180  }
0xf7: {  	[tilespmem:s2], [sflag:$0x2] =	stream.linear.gather [hbm4b:s30+s15], $0x80, $0x38;
	[tilespmem:$0x1FB80] =	vst v63  }
0xf8: {  	s25 =	simm.s32 $0x200;
	s24 =	rddreg [dreg:$0xa]  }
0xf9: {  	[tilespmem:s25], [sflag:$0x3] =	stream.linear.gather [hbm4b:s24+s15], $0x80, $0x38;
	[tilespmem:$0x1FB80] =	vst v63  }
0xfa: {  	s28 =	simm.s32 $0x280;
	s26 =	rddreg [dreg:$0x8]  }
0xfb: {  	[tilespmem:s28], [sflag:$0x3] =	stream.linear.gather [hbm4b:s26+s15], $0x80, $0x38;
	[tilespmem:$0x1FB80] =	vst v63  }
0xfc: {  	_ =	swait.ge [sflag:s21], $0x80  }
0xfd: {  	[sflag:s21] =	ssyncset.done $0x0  }
0xfe: {  	[sflag:s21] =	ssyncadd.s32 $0xFFFFFF80  }
0xff: {  	_ =	swait.ge [sflag:s21], $0x80  }
0x100: {  	[sflag:s21] =	ssyncset.done $0x0  }
0x101: {  	s31 =	smov.u32 s29;
	s29 =	simm.s32 $0x300;
	[sflag:s21] =	ssyncadd.s32 $0xFFFFFF80  }
0x102: {  	[tilespmem:s29], [sflag:$0x4] =	stream.indirect.gather [hbm4b:s1+s16], $0x80, s15, s16, $0xb8;
	[tilespmem:$0x1FB80] =	vst v63  }
0x103: {  	_ =	swait.ge [sflag:s22], $0x80  }
0x104: {  	[sflag:s22] =	ssyncset.done $0x0  }
0x105: {  	[sflag:s22] =	ssyncadd.s32 $0xFFFFFF80  }
0x106: {  	_ =	swait.ge [sflag:s22], $0x80  }
0x107: {  	s13 =	smov.u32 s30;
	p1 =	sle.u32 s5, $0x0;
	[sflag:s22] =	ssyncset.done $0x0  }
0x108: {  	s0 =	simm.s32 @!p1 $0x4;
	s30 =	simm.s32 $0x4300;
	[sflag:s22] =	ssyncadd.s32 $0xFFFFFF80  }
0x109: {  	[tilespmem:s30], [sflag:$0x5] =	stream.indirect.gather [hbm4b:s1+s16], $0x80, s20, s16, $0xb8;
	[tilespmem:$0x1FB80] =	vst v63  }
0x10a: {  	_ =	swait.ge @!p1 [sflag:s0], $0x4000  }
0x10b: {  	s12 =	simm.s32 @!p1 $0x300;
	s14 =	simm.s32 @!p1 $0x80;
	[sflag:s0] =	ssyncset.done @!p1 $0x0  }
0x10c: {  	p2 =	sle.u32 @!p1 s5, $0x3;
	s8 =	simm.s32 @!p1 $0x7;
	[sflag:s0] =	ssyncadd.s32 @!p1 $0xFFFFC000  }
0x10d: {  	[spmem:s3] =	stream.indirect.scatter.add.f32 @!p1 [tilespmem:s12], [sflag:$0x7], $0x80, s14, s14, $0xb8;
	[tilespmem:$0x1FB80] =	vst v63  }
0x10e: {  	p3 =	por p2, p1;
	p2 =	sle.u32 @!p1 s11, $0x0;
	_ =	swait.ge @!p1 [sflag:s8], $0x4000  }
0x10f: {  	p2 =	por p2, p1;
	s0 =	sadd.s32 @!p3 $0x0, s9;
	[sflag:s8] =	ssyncset.done @!p1 $0x0  }
0x110: {  	s12 =	sadd.s32 @!p3 $0x60, s0;
	s14 =	simm.s32 @!p3 $0x0;
	[sflag:s8] =	ssyncadd.s32 @!p1 $0xFFFFC000  }
0x111: {  	[tilespmem:s14], [sflag:$0x1] =	stream.linear.gather @!p3 [hbm4b:s12+s14], $0x80, $0x38;
	[tilespmem:$0x1FB80] =	vst v63  }
0x112: {  	s0 =	sadd.s32 @!p3 $0x70, s0;
	s8 =	simm.s32 @!p3 $0x80;
	s12 =	simm.s32 @!p2 $0x3  }
0x113: {  	[tilespmem:s8], [sflag:$0x1] =	stream.linear.gather @!p3 [hbm4b:s0+s14], $0x80, $0x38;
	[tilespmem:$0x1FB80] =	vst v63  }
0x114: {  	_ =	swait.ge @!p2 [sflag:s12], $0x80  }
0x115: {  	[sflag:s12] =	ssyncset.done @!p2 $0x0  }
0x116: {  	[sflag:s12] =	ssyncadd.s32 @!p2 $0xFFFFFF80  }
0x117: {  	p1 =	sle.u32 s10, $0x0;
	_ =	swait.ge @!p2 [sflag:s12], $0x80  }
0x118: {  	s15 =	simm.s32 @!p1 $0x5;
	s0 =	simm.s32 @!p2 $0x8300;
	[sflag:s12] =	ssyncset.done @!p2 $0x0  }
0x119: {  	s8 =	simm.s32 @!p2 $0x200;
	s14 =	simm.s32 @!p2 $0x80;
	[sflag:s12] =	ssyncadd.s32 @!p2 $0xFFFFFF80  }
0x11a: {  	[tilespmem:s0], [sflag:$0x6] =	stream.indirect.gather @!p2 [hbm4b:s1+s14], $0x80, s8, s14, $0xb8;
	[tilespmem:$0x1FB80] =	vst v63  }
0x11b: {  	s12 =	simm.s32 @!p1 $0x80;
	p2 =	sle.u32 @!p1 s5, $0x4;
	_ =	swait.ge @!p1 [sflag:s15], $0x4000  }
0x11c: {  	s0 =	simm.s32 @!p1 $0x4300;
	s8 =	simm.s32 @!p1 $0x7;
	[sflag:s15] =	ssyncset.done @!p1 $0x0  }
0x11d: {  	s14 =	simm.s32 @!p1 $0x180;
	p2 =	por p2, p1;
	[sflag:s15] =	ssyncadd.s32 @!p1 $0xFFFFC000  }
0x11e: {  	[spmem:s3] =	stream.indirect.scatter.add.f32 @!p1 [tilespmem:s0], [sflag:$0x7], $0x80, s14, s12, $0xb8;
	[tilespmem:$0x1FB80] =	vst v63  }
0x11f: {  	s15 =	simm.s32 @!p2 $0x100;
	s0 =	sadd.s32 @!p2 $0x0, s9;
	_ =	swait.ge @!p1 [sflag:s8], $0x4000  }
0x120: {  	s12 =	sadd.s32 @!p2 $0x80, s0;
	[sflag:s8] =	ssyncset.done @!p1 $0x0;
	s14 =	rddreg [dreg:$0x6]  }
0x121: {  	[sflag:s8] =	ssyncadd.s32 @!p1 $0xFFFFC000;
	s8 =	simm.s32 @!p2 $0x0;
	p3 =	sle.u32 @!p1 s14, $0x0  }
0x122: {  	[tilespmem:s15], [sflag:$0x2] =	stream.linear.gather @!p2 [hbm4b:s12+s8], $0x80, $0x38;
	[tilespmem:$0x1FB80] =	vst v63  }
0x123: {  	p1 =	por p3, p1  }
0x124: {  	s0 =	sadd.s32 @!p2 $0x90, s0;
	s12 =	simm.s32 @!p2 $0x180;
	s14 =	simm.s32 @!p1 $0x1  }
0x125: {  	[tilespmem:s12], [sflag:$0x2] =	stream.linear.gather @!p2 [hbm4b:s0+s8], $0x80, $0x38;
	[tilespmem:$0x1FB80] =	vst v63  }
0x126: {  	_ =	swait.ge @!p1 [sflag:s14], $0x80  }
0x127: {  	[sflag:s14] =	ssyncset.done @!p1 $0x0  }
0x128: {  	s2 =	simm.s32 $0x80;
	[sflag:s14] =	ssyncadd.s32 @!p1 $0xFFFFFF80  }
0x129: {  	p2 =	sle.u32 s11, $0x0;
	s8 =	simm.s32 @!p1 $0x300;
	_ =	swait.ge @!p1 [sflag:s14], $0x80  }
0x12a: {  	s12 =	simm.s32 @!p1 $0x80;
	s0 =	simm.s32 @!p2 $0x6;
	[sflag:s14] =	ssyncset.done @!p1 $0x0  }
0x12b: {  	s15 =	simm.s32 @!p2 $0x8300;
	[sflag:s14] =	ssyncadd.s32 @!p1 $0xFFFFFF80;
	s14 =	simm.s32 @!p1 $0x0  }
0x12c: {  	[tilespmem:s8], [sflag:$0x4] =	stream.indirect.gather @!p1 [hbm4b:s1+s12], $0x80, s14, s12, $0xb8;
	[tilespmem:$0x1FB80] =	vst v63  }
0x12d: {  	p1 =	sle.u32 @!p2 s5, $0x5;
	s8 =	simm.s32 @!p2 $0x80;
	_ =	swait.ge @!p2 [sflag:s0], $0x4000  }
0x12e: {  	s12 =	simm.s32 @!p2 $0x280;
	p3 =	por p1, p2;
	[sflag:s0] =	ssyncset.done @!p2 $0x0  }
0x12f: {  	s14 =	simm.s32 @!p2 $0x7;
	[sflag:s0] =	ssyncadd.s32 @!p2 $0xFFFFC000;
	s0 =	sadd.s32 @!p3 $0x0, s9  }
0x130: {  	[spmem:s3] =	stream.indirect.scatter.add.f32 @!p2 [tilespmem:s15], [sflag:$0x7], $0x80, s12, s8, $0xb8;
	[tilespmem:$0x1FB80] =	vst v63  }
0x131: {  	s12 =	sadd.s32 @!p3 $0xA0, s0;
	s8 =	simm.s32 @!p3 $0x0;
	_ =	swait.ge @!p2 [sflag:s14], $0x4000  }
0x132: {  	s15 =	simm.s32 $0x60;
	s0 =	sadd.s32 @!p3 $0xB0, s0;
	[sflag:s14] =	ssyncset.done @!p2 $0x0  }
0x133: {  	s16 =	rddreg [dreg:$0x7];
	[sflag:s14] =	ssyncadd.s32 @!p2 $0xFFFFC000;
	s14 =	simm.s32 @!p3 $0x200  }
0x134: {  	[tilespmem:s14], [sflag:$0x3] =	stream.linear.gather @!p3 [hbm4b:s12+s8], $0x80, $0x38;
	[tilespmem:$0x1FB80] =	vst v63  }
0x135: {  	p4 =	sle.u32 @!p2 s16, $0x0;
	s14 =	simm.s32 $0x5;
	s12 =	simm.s32 @!p3 $0x280  }
.LBB2_6:
0x136: {  	p5 =	por p4, p2  }
0x137: {  	[tilespmem:s12], [sflag:$0x3] =	stream.linear.gather @!p3 [hbm4b:s0+s8], $0x80, $0x38;
	[tilespmem:$0x1FB80] =	vst v63  }
0x138: {  	s20 =	simm.s32 @!p5 $0x2  }
0x139: {  	_ =	swait.ge @!p5 [sflag:s20], $0x80  }
0x13a: {  	s14 =	sadd.s32 $0x3, s14;
	[sflag:s20] =	ssyncset.done @!p5 $0x0  }
0x13b: {  	s16 =	sadd.s32 $0xFFFFFFFB, s14;
	s25 =	simm.s32 @!p5 $0x4300;
	[sflag:s20] =	ssyncadd.s32 @!p5 $0xFFFFFF80  }
0x13c: {  	s0 =	simm.s32 @!p5 $0x100;
	p2 =	sge.u32 s16, s5;
	_ =	swait.ge @!p5 [sflag:s20], $0x80  }
0x13d: {  	s12 =	simm.s32 @!p5 $0x80;
	s24 =	sadd.s32 @!p2 $0xFFFFFFFE, s14;
	[sflag:s20] =	ssyncset.done @!p5 $0x0  }
0x13e: {  	p3 =	sge.u32 @!p2 s24, s5;
	s24 =	simm.s32 @!p2 $0x4;
	[sflag:s20] =	ssyncadd.s32 @!p5 $0xFFFFFF80  }
0x13f: {  	[tilespmem:s25], [sflag:$0x5] =	stream.indirect.gather @!p5 [hbm4b:s1+s12], $0x80, s0, s12, $0xb8;
	[tilespmem:$0x1FB80] =	vst v63  }
0x140: {  	_ =	swait.ge @!p2 [sflag:s24], $0x4000  }
0x141: {  	s17 =	smov.u32 s15;
	s8 =	simm.s32 @!p2 $0x7;
	[sflag:s24] =	ssyncset.done @!p2 $0x0  }
0x142: {  	s26 =	simm.s32 @!p2 $0x300;
	s28 =	simm.s32 @!p2 $0x80;
	[sflag:s24] =	ssyncadd.s32 @!p2 $0xFFFFC000  }
0x143: {  	[spmem:s3] =	stream.indirect.scatter.add.f32 @!p2 [tilespmem:s26], [sflag:$0x7], $0x80, s28, s28, $0xb8;
	[tilespmem:$0x1FB80] =	vst v63  }
0x144: {  	p4 =	sge.u32 @!p2 s16, s11;
	p3 =	por p3, p2;
	_ =	swait.ge @!p2 [sflag:s8], $0x4000  }
0x145: {  	p4 =	por p4, p2;
	s29 =	sadd.s32 @!p3 s17, s9;
	[sflag:s8] =	ssyncset.done @!p2 $0x0  }
0x146: {  	s30 =	sadd.s32 @!p3 $0x60, s29;
	s0 =	simm.s32 @!p3 $0x0;
	[sflag:s8] =	ssyncadd.s32 @!p2 $0xFFFFC000  }
0x147: {  	[tilespmem:s0], [sflag:$0x1] =	stream.linear.gather @!p3 [hbm4b:s30+s0], $0x80, $0x38;
	[tilespmem:$0x1FB80] =	vst v63  }
0x148: {  	s29 =	sadd.s32 @!p3 $0x70, s29;
	s12 =	simm.s32 @!p4 $0x3;
	s8 =	simm.s32 @!p3 $0x80  }
0x149: {  	[tilespmem:s8], [sflag:$0x1] =	stream.linear.gather @!p3 [hbm4b:s29+s0], $0x80, $0x38;
	[tilespmem:$0x1FB80] =	vst v63  }
0x14a: {  	_ =	swait.ge @!p4 [sflag:s12], $0x80  }
0x14b: {  	[sflag:s12] =	ssyncset.done @!p4 $0x0  }
0x14c: {  	p2 =	sge.u32 s16, s10;
	[sflag:s12] =	ssyncadd.s32 @!p4 $0xFFFFFF80  }
0x14d: {  	s20 =	simm.s32 @!p4 $0x8300;
	s24 =	simm.s32 @!p2 $0x5;
	_ =	swait.ge @!p4 [sflag:s12], $0x80  }
0x14e: {  	s0 =	sadd.s32 @!p2 $0xFFFFFFFF, s14;
	s8 =	simm.s32 @!p4 $0x80;
	[sflag:s12] =	ssyncset.done @!p4 $0x0  }
0x14f: {  	p3 =	sge.u32 @!p2 s0, s5;
	s0 =	simm.s32 @!p4 $0x200;
	[sflag:s12] =	ssyncadd.s32 @!p4 $0xFFFFFF80  }
0x150: {  	[tilespmem:s20], [sflag:$0x6] =	stream.indirect.gather @!p4 [hbm4b:s1+s8], $0x80, s0, s8, $0xb8;
	[tilespmem:$0x1FB80] =	vst v63  }
0x151: {  	s25 =	simm.s32 @!p2 $0x180;
	p3 =	por p3, p2;
	_ =	swait.ge @!p2 [sflag:s24], $0x4000  }
0x152: {  	s12 =	simm.s32 @!p2 $0x4300;
	s0 =	simm.s32 @!p2 $0x7;
	[sflag:s24] =	ssyncset.done @!p2 $0x0  }
0x153: {  	s8 =	sadd.s32 @!p3 s17, s9;
	[sflag:s24] =	ssyncadd.s32 @!p2 $0xFFFFC000;
	s24 =	simm.s32 @!p2 $0x80  }
0x154: {  	[spmem:s3] =	stream.indirect.scatter.add.f32 @!p2 [tilespmem:s12], [sflag:$0x7], $0x80, s25, s24, $0xb8;
	[tilespmem:$0x1FB80] =	vst v63  }
0x155: {  	s20 =	sadd.s32 @!p3 $0x80, s8;
	_ =	swait.ge @!p2 [sflag:s0], $0x4000  }
0x156: {  	s25 =	simm.s32 @!p3 $0x100;
	[sflag:s0] =	ssyncset.done @!p2 $0x0;
	s24 =	rddreg [dreg:$0x6]  }
0x157: {  	[sflag:s0] =	ssyncadd.s32 @!p2 $0xFFFFC000;
	s0 =	simm.s32 @!p3 $0x0;
	p4 =	sge.u32 @!p2 s16, s24  }
0x158: {  	[tilespmem:s25], [sflag:$0x2] =	stream.linear.gather @!p3 [hbm4b:s20+s0], $0x80, $0x38;
	[tilespmem:$0x1FB80] =	vst v63  }
0x159: {  	p4 =	por p4, p2  }
0x15a: {  	s8 =	sadd.s32 @!p3 $0x90, s8;
	s12 =	simm.s32 @!p3 $0x180;
	s20 =	simm.s32 @!p4 $0x1  }
0x15b: {  	[tilespmem:s12], [sflag:$0x2] =	stream.linear.gather @!p3 [hbm4b:s8+s0], $0x80, $0x38;
	[tilespmem:$0x1FB80] =	vst v63  }
0x15c: {  	_ =	swait.ge @!p4 [sflag:s20], $0x80  }
0x15d: {  	[sflag:s20] =	ssyncset.done @!p4 $0x0  }
0x15e: {  	s15 =	sadd.s32 $0x60, s15;
	[sflag:s20] =	ssyncadd.s32 @!p4 $0xFFFFFF80  }
0x15f: {  	p1 =	sne.s32 s15, $0xA20;
	p2 =	sge.u32 s16, s11;
	_ =	swait.ge @!p4 [sflag:s20], $0x80  }
0x160: {  	s25 =	simm.s32 @!p4 $0x0;
	s0 =	simm.s32 @!p2 $0x6;
	[sflag:s20] =	ssyncset.done @!p4 $0x0  }
0x161: {  	s8 =	simm.s32 @!p4 $0x300;
	[sflag:s20] =	ssyncadd.s32 @!p4 $0xFFFFFF80;
	s20 =	simm.s32 @!p4 $0x80  }
0x162: {  	[tilespmem:s8], [sflag:$0x4] =	stream.indirect.gather @!p4 [hbm4b:s1+s20], $0x80, s25, s20, $0xb8;
	[tilespmem:$0x1FB80] =	vst v63  }
0x163: {  	s24 =	simm.s32 @!p2 $0x280;
	p3 =	sge.u32 @!p2 s14, s5;
	_ =	swait.ge @!p2 [sflag:s0], $0x4000  }
0x164: {  	s12 =	simm.s32 @!p2 $0x80;
	p3 =	por p3, p2;
	[sflag:s0] =	ssyncset.done @!p2 $0x0  }
0x165: {  	s17 =	sadd.s32 @!p3 s17, s9;
	s8 =	simm.s32 @!p2 $0x8300;
	[sflag:s0] =	ssyncadd.s32 @!p2 $0xFFFFC000  }
0x166: {  	[spmem:s3] =	stream.indirect.scatter.add.f32 @!p2 [tilespmem:s8], [sflag:$0x7], $0x80, s24, s12, $0xb8;
	[tilespmem:$0x1FB80] =	vst v63  }
.Ltmp2:
0x167: {  	s20 =	simm.s32 @!p2 $0x7;
	s25 =	sadd.s32 @!p3 $0xA0, s17;
	(pc) =	sbr.rel @p1 .LBB2_6-.Ltmp2, $4  }
0x168: {  	s0 =	sadd.s32 @!p3 $0xB0, s17;
	s8 =	simm.s32 @!p3 $0x0;
	_ =	swait.ge @!p2 [sflag:s20], $0x4000  }
0x169: {  	s12 =	simm.s32 @!p3 $0x280;
	[sflag:s20] =	ssyncset.done @!p2 $0x0;
	s17 =	rddreg [dreg:$0x7]  }
0x16a: {  	[sflag:s20] =	ssyncadd.s32 @!p2 $0xFFFFC000;
	s20 =	simm.s32 @!p3 $0x200;
	p4 =	sge.u32 @!p2 s16, s17  }
0x16b: {  	[tilespmem:s20], [sflag:$0x3] =	stream.linear.gather @!p3 [hbm4b:s25+s8], $0x80, $0x38;
	[tilespmem:$0x1FB80] =	vst v63  }
0x16c: {  	p1 =	por p4, p2  }
0x16d: {  	[tilespmem:s12], [sflag:$0x3] =	stream.linear.gather @!p3 [hbm4b:s0+s8], $0x80, $0x38;
	[tilespmem:$0x1FB80] =	vst v63  }
0x16e: {  	s14 =	simm.s32 @!p1 $0x2  }
0x16f: {  	_ =	swait.ge @!p1 [sflag:s14], $0x80  }
0x170: {  	[sflag:s14] =	ssyncset.done @!p1 $0x0  }
0x171: {  	[sflag:s14] =	ssyncadd.s32 @!p1 $0xFFFFFF80  }
0x172: {  	_ =	swait.ge @!p1 [sflag:s14], $0x80  }
0x173: {  	s0 =	simm.s32 @!p1 $0x4300;
	[sflag:s14] =	ssyncset.done @!p1 $0x0  }
0x174: {  	s8 =	simm.s32 @!p1 $0x100;
	s12 =	simm.s32 @!p1 $0x80;
	[sflag:s14] =	ssyncadd.s32 @!p1 $0xFFFFFF80  }
0x175: {  	[tilespmem:s0], [sflag:$0x5] =	stream.indirect.gather @!p1 [hbm4b:s1+s12], $0x80, s8, s12, $0xb8;
	[tilespmem:$0x1FB80] =	vst v63  }
0x176: {  	s16 =	stileid.u32;
	[bflag:$0x0] =	sbarrier.arrive $0xFFFF  }
0x177: {  	s0 =	sshll.u32 s16, $0x6;
	s14 =	rddreg [dreg:$0x1e]  }
0x178: {  	s0 =	sor.u32 $0x1C07, s0;
	s20 =	rddreg [dreg:$0xb];
	s17 =	sshrl.u32 s14, $0x3  }
0x179: {  	[hbm:s20], [sflag:s0] =	dma.local [spmem:s17], $0x500  }
0x17a: {  	_ =	swait.ge [sflag:s19], $0x500  }
0x17b: {  	[sflag:s19] =	ssyncset.done $0x0;
	s15 =	rddreg [dreg:$0x17]  }
0x17c: {  	s25 =	rddreg [dreg:$0xc];
	[sflag:s19] =	ssyncadd.s32 $0xFFFFFB00;
	s24 =	sshrl.u32 s15, $0x3  }
0x17d: {  	[hbm:s25], [sflag:s0] =	dma.local [spmem:s24], $0x500  }
0x17e: {  	_ =	swait.ge [sflag:s19], $0x500  }
0x17f: {  	[sflag:s19] =	ssyncset.done $0x0;
	s16 =	rddreg [dreg:$0x18]  }
0x180: {  	s28 =	rddreg [dreg:$0xd];
	[sflag:s19] =	ssyncadd.s32 $0xFFFFFB00;
	s26 =	sshrl.u32 s16, $0x3  }
0x181: {  	[hbm:s28], [sflag:s0] =	dma.local [spmem:s26], $0x500  }
0x182: {  	_ =	swait.ge [sflag:s19], $0x500  }
0x183: {  	[sflag:s19] =	ssyncset.done $0x0;
	s17 =	rddreg [dreg:$0x19]  }
0x184: {  	s20 =	rddreg [dreg:$0xe];
	[sflag:s19] =	ssyncadd.s32 $0xFFFFFB00;
	s12 =	sshrl.u32 s17, $0x3  }
0x185: {  	[hbm:s20], [sflag:s0] =	dma.local [spmem:s12], $0x500  }
0x186: {  	_ =	swait.ge [sflag:s19], $0x500  }
0x187: {  	[sflag:s19] =	ssyncset.done $0x0;
	s20 =	rddreg [dreg:$0x1a]  }
0x188: {  	s25 =	rddreg [dreg:$0xf];
	[sflag:s19] =	ssyncadd.s32 $0xFFFFFB00;
	s24 =	sshrl.u32 s20, $0x3  }
0x189: {  	[hbm:s25], [sflag:s0] =	dma.local [spmem:s24], $0x500  }
0x18a: {  	_ =	swait.ge [sflag:s19], $0x500  }
0x18b: {  	[sflag:s19] =	ssyncset.done $0x0;
	s24 =	rddreg [dreg:$0x1b]  }
0x18c: {  	s28 =	rddreg [dreg:$0x10];
	[sflag:s19] =	ssyncadd.s32 $0xFFFFFB00;
	s26 =	sshrl.u32 s24, $0x3  }
0x18d: {  	[hbm:s28], [sflag:s0] =	dma.local [spmem:s26], $0x500  }
0x18e: {  	_ =	swait.ge [sflag:s19], $0x500  }
0x18f: {  	[sflag:s19] =	ssyncset.done $0x0;
	s25 =	rddreg [dreg:$0x1c]  }
0x190: {  	s26 =	rddreg [dreg:$0x11];
	[sflag:s19] =	ssyncadd.s32 $0xFFFFFB00;
	s12 =	sshrl.u32 s25, $0x3  }
0x191: {  	[hbm:s26], [sflag:s0] =	dma.local [spmem:s12], $0x500  }
0x192: {  	_ =	swait.ge [sflag:s19], $0x500  }
0x193: {  	[sflag:s19] =	ssyncset.done $0x0;
	s26 =	rddreg [dreg:$0x1d]  }
0x194: {  	s12 =	rddreg [dreg:$0x12];
	[sflag:s19] =	ssyncadd.s32 $0xFFFFFB00;
	s8 =	sshrl.u32 @!p0 s26, $0x3  }
0x195: {  	[hbm:s12], [sflag:s0] =	dma.local @!p0 [spmem:s8], $0x500  }
0x196: {  	s0 =	simm.s32 @!p0 $0x7  }
0x197: {  	_ =	swait.ge @!p0 [sflag:s0], $0x500  }
0x198: {  	s23 =	sadd.s32 $0x1, s23;
	s28 =	rddreg [dreg:$0x16]  }
0x199: {  	p1 =	sne.s32 s23, s28  }
.Ltmp3:
0x19a: {  	_ = 	snop;
	(pc) =	sbr.rel @p1 .LBB2_1-.Ltmp3, $3  }
0x19b: {  	_ =	sdelay $0x1  }
0x19c: {  	[sflag:s0] =	ssyncset.done @!p0 $0x0  }
0x19d: {  	s29 =	smov.u32 s31;
	s30 =	smov.u32 s13;
	[sflag:s0] =	ssyncadd.s32 @!p0 $0xFFFFFB00  }
0x19e: {  	_ =	sfence.sel $0x180000  }
0x19f: {  	[bflag:$0x0] =	sbarrier.arrive $0xFFFF  }
0x1a0: {  	_ =	strace $0x90000047  }
0x1a1: {  	s0 =	stileid.u32;
	[bflag:$0x2] =	sbarrier.arrive $0xFFFF  }
0x1a2: {  	p0 =	sne.s32 s0, $0x0;
	s0 =	rddreg [dreg:$0x5]  }
0x1a3: {  	s0 =	sadd.s32 @!p0 $0x100000, s0  }
0x1a4: {  	[sflag:s0] =	ssyncadd.tile.s32 @!p0 $0x1;
	_ =	shalt  }
.Lfunc_end2:
_tile_overlayer_lowered:
.L_overlay_start_2:
0x1a5: {  	(tag) =	ssettag $0x2  }
0x1a6: {  	s0 =	rddreg [dreg:$0x0];
	s2 =	stileid.u32  }
0x1a7: {  	s1 =	rddreg [dreg:$0x1];
	p0 =	sne.s32 s2, $0x0  }
0x1a8: {  	s3 =	rddreg [dreg:$0x2];
	[bflag:$0x3] =	sbarrier.arrive $0xFFFF;
	s2 =	simm.s32 @!p0 $0x1C07  }
0x1a9: {  	[timem:s3], [sflag:s2] =	dma.local @!p0 [hbm:s0], s1  }
0x1aa: {  	s0 =	simm.s32 @!p0 $0x7  }
0x1ab: {  	_ =	swait.ge @!p0 [sflag:s0], s1  }
0x1ac: {  	s1 =	ssub.s32 @!p0 $0x0, s1;
	[sflag:s0] =	ssyncset.done @!p0 $0x0  }
0x1ad: {  	[sflag:s0] =	ssyncadd.s32 @!p0 s1  }
0x1ae: {  	[bflag:$0x3] =	sbarrier.arrive $0xFFFF  }
0x1af: {  	_ =	shalt  }

</sc_bundles>
